<compile_context>
chip_gen: v7x
topology: tpu7x:2x2x1
jax: 0.10.2.dev20260603
libtpu: 0.0.44.dev20260713+nightly
codegen_flags: <defaults>
</compile_context>

<pallas_src>
import functools

import jax
import jax.numpy as jnp
from jax import lax
from jax.experimental import pallas as pl
from jax.experimental.pallas import tpu as pltpu
from jax.experimental.pallas import tpu_sc as plsc

N = 10000
D = 128
E = 320000
NC = 2
NS = 16
NW = NC * NS
CHUNK = 128
CPT = 80
PH = 2
CPH = CPT // PH
E_PAD = NW * CPT * CHUNK
N_PAD = 10240
RPT = N_PAD // NS
BLK = 640
DUMMY = N

_mesh = plsc.VectorSubcoreMesh(core_axis_name="c", subcore_axis_name="s")



@functools.partial(
    pl.kernel,
    out_type=jax.ShapeDtypeStruct((NC * N_PAD, D), jnp.float32),
    mesh=_mesh,
    scratch_types=[
        pltpu.VMEM((CPT, CHUNK), jnp.int32),
        pltpu.VMEM((CHUNK, D), jnp.float32),
        pltpu.SemaphoreType.DMA,
        pltpu.SemaphoreType.DMA,
        pltpu.VMEM_SHARED((N_PAD, D), jnp.float32),
    ],
)
def _sc_degree(col_hbm, deg_hbm, col_v, ones_v, sem_a, sem_b, deg_sh):
    cid = lax.axis_index("c")
    sid = lax.axis_index("s")
    g = cid * NS + sid
    pltpu.sync_copy(col_hbm.at[g], col_v)

    @pl.loop(0, CHUNK)
    def _(i):
        @pl.loop(0, D, step=16)
        def _(k):
            ones_v[i, pl.ds(k, 16)] = jnp.zeros((16,), jnp.float32)

    @pl.loop(0, RPT, step=CHUNK)
    def _(r):
        pltpu.sync_copy(ones_v, deg_sh.at[pl.ds(sid * RPT + r, CHUNK)])

    @pl.loop(0, CHUNK)
    def _(i):
        @pl.loop(0, D, step=16)
        def _(k):
            ones_v[i, pl.ds(k, 16)] = jnp.ones((16,), jnp.float32)

    plsc.subcore_barrier()

    @pl.loop(0, CPT, step=2)
    def _(j):
        c1 = pltpu.async_copy(ones_v, deg_sh.at[col_v.at[j]], sem_a, add=True)
        c2 = pltpu.async_copy(ones_v, deg_sh.at[col_v.at[j + 1]], sem_b,
                              add=True)
        c1.wait()
        c2.wait()

    plsc.subcore_barrier()
    pltpu.sync_copy(deg_sh.at[pl.ds(sid * RPT, RPT)],
                    deg_hbm.at[pl.ds(cid * N_PAD + sid * RPT, RPT)])


@functools.partial(
    pl.kernel,
    out_type=jax.ShapeDtypeStruct((NC * N_PAD, D), jnp.float32),
    mesh=_mesh,
    scratch_types=[
        pltpu.VMEM((CPH, CHUNK), jnp.int32),
        pltpu.VMEM((CPH, CHUNK), jnp.int32),
        pltpu.VMEM((CHUNK, D), jnp.float32),
        pltpu.VMEM((CHUNK, D), jnp.float32),
        pltpu.SemaphoreType.DMA,
        pltpu.SemaphoreType.DMA,
        pltpu.SemaphoreType.DMA,
        pltpu.SemaphoreType.DMA,
        pltpu.VMEM_SHARED((N_PAD, D), jnp.float32),
    ],
)
def _sc_scatter(y_hbm, row_hbm, col_hbm, part_hbm, row_v, col_v,
                buf_a, buf_b, sem_a, sem_a2, sem_b, sem_b2, acc):
    cid = lax.axis_index("c")
    sid = lax.axis_index("s")
    g = cid * NS + sid

    @pl.loop(0, CHUNK)
    def _(i):
        @pl.loop(0, D, step=16)
        def _(k):
            buf_a[i, pl.ds(k, 16)] = jnp.zeros((16,), jnp.float32)

    @pl.loop(0, RPT, step=CHUNK)
    def _(r):
        pltpu.sync_copy(buf_a, acc.at[pl.ds(sid * RPT + r, CHUNK)])

    plsc.subcore_barrier()

    for h in range(PH):
        pltpu.sync_copy(row_hbm.at[g * PH + h], row_v)
        pltpu.sync_copy(col_hbm.at[g * PH + h], col_v)

        @pl.loop(0, CPH, step=2)
        def _(k):
            cp_a = pltpu.async_copy(y_hbm.at[row_v.at[k]], buf_a, sem_a)
            cp_b = pltpu.async_copy(y_hbm.at[row_v.at[k + 1]], buf_b, sem_b)
            cp_a.wait()
            cs_a = pltpu.async_copy(buf_a, acc.at[col_v.at[k]], sem_a2,
                                    add=True)
            cp_b.wait()
            cs_b = pltpu.async_copy(buf_b, acc.at[col_v.at[k + 1]], sem_b2,
                                    add=True)
            cs_a.wait()
            cs_b.wait()

    plsc.subcore_barrier()
    pltpu.sync_copy(acc.at[pl.ds(sid * RPT, RPT)],
                    part_hbm.at[pl.ds(cid * N_PAD + sid * RPT, RPT)])



def _norm_body(degp_ref, x_ref, w_ref, y_ref, dinv_ref):
    deg = degp_ref[0, :, 0] + degp_ref[1, :, 0] + 1.0
    dinv = lax.rsqrt(deg)
    dinv_ref[0, :] = dinv
    xw = jnp.dot(x_ref[...], w_ref[...], preferred_element_type=jnp.float32)
    y_ref[...] = xw * dinv[:, None]


_norm = pl.pallas_call(
    _norm_body,
    grid=(N_PAD // BLK,),
    in_specs=[pl.BlockSpec((NC, BLK, D), lambda i: (0, i, 0)),
              pl.BlockSpec((BLK, D), lambda i: (i, 0)),
              pl.BlockSpec((D, D), lambda i: (0, 0))],
    out_specs=[pl.BlockSpec((BLK, D), lambda i: (i, 0)),
               pl.BlockSpec((1, BLK), lambda i: (0, i))],
    out_shape=[jax.ShapeDtypeStruct((N_PAD, D), jnp.float32),
               jax.ShapeDtypeStruct((1, N_PAD), jnp.float32)],
)


def _layer_body(p_ref, y_ref, dinv_ref, b_ref, w_ref, y2_ref):
    arr = p_ref[...]
    dinv = dinv_ref[0, :][:, None]
    pre = (arr[0] + arr[1] + y_ref[...]) * dinv + b_ref[...]
    h = jnp.maximum(pre, 0.0)
    y2_ref[...] = jnp.dot(h, w_ref[...], preferred_element_type=jnp.float32) * dinv


_layer = pl.pallas_call(
    _layer_body,
    grid=(N_PAD // BLK,),
    in_specs=[pl.BlockSpec((NC, BLK, D), lambda i: (0, i, 0)),
              pl.BlockSpec((BLK, D), lambda i: (i, 0)),
              pl.BlockSpec((1, BLK), lambda i: (0, i)),
              pl.BlockSpec((1, D), lambda i: (0, 0)),
              pl.BlockSpec((D, D), lambda i: (0, 0))],
    out_specs=pl.BlockSpec((BLK, D), lambda i: (i, 0)),
    out_shape=jax.ShapeDtypeStruct((N_PAD, D), jnp.float32),
)


def _final_body(p_ref, y_ref, dinv_ref, b_ref, o_ref):
    arr = p_ref[...]
    dinv = dinv_ref[0, :][:, None]
    o_ref[...] = (arr[0] + arr[1] + y_ref[...]) * dinv + b_ref[...]


_final = pl.pallas_call(
    _final_body,
    grid=(N_PAD // BLK,),
    in_specs=[pl.BlockSpec((NC, BLK, D), lambda i: (0, i, 0)),
              pl.BlockSpec((BLK, D), lambda i: (i, 0)),
              pl.BlockSpec((1, BLK), lambda i: (0, i)),
              pl.BlockSpec((1, D), lambda i: (0, 0))],
    out_specs=pl.BlockSpec((BLK, D), lambda i: (i, 0)),
    out_shape=jax.ShapeDtypeStruct((N_PAD, D), jnp.float32),
)


def kernel(x, edge_index, W1, b1, W2, b2):
    ei = edge_index.astype(jnp.int32)
    padv = DUMMY + (jnp.arange(E_PAD - E, dtype=jnp.int32) % (N_PAD - N))
    row = jnp.concatenate([ei[0], padv]).reshape(NW, CPT, CHUNK)
    col = jnp.concatenate([ei[1], padv]).reshape(NW, CPT, CHUNK)
    srow = row.reshape(NW * PH, CPH, CHUNK)
    scol = col.reshape(NW * PH, CPH, CHUNK)
    xp = jnp.pad(x, ((0, N_PAD - N), (0, 0)))
    b1r = b1.reshape(1, D)
    b2r = b2.reshape(1, D)

    degp = _sc_degree(col).reshape(NC, N_PAD, D)
    y1, dinv = _norm(degp, xp, W1)
    p1 = _sc_scatter(y1, srow, scol).reshape(NC, N_PAD, D)
    y2 = _layer(p1, y1, dinv, b1r, W2)
    p2 = _sc_scatter(y2, srow, scol).reshape(NC, N_PAD, D)
    out = _final(p2, y2, dinv, b2r)
    return out[:N]

# --- scband reference (transcript-rebuilt; emitter-appended) ---
"""Pipeline reference for scband-gcn-74354473828951 (READ-ONLY COPY).

The authoritative reference and input builder live on the scoring server;
editing this copy changes nothing except your own understanding.
"""

import jax, jax.numpy as jnp
import numpy as np

N_NODES = 10000
N_EDGES = 320000
D_IN = 128
D_HID = 128
D_OUT = 128


def gcn_conv(x, edge_index, W, b):
    # Faithful PyG GCNConv: add self-loops, symmetric normalization D^-1/2 (A+I) D^-1/2 x W + b
    N = x.shape[0]
    loops = jnp.arange(N, dtype=edge_index.dtype)
    ei = jnp.concatenate([edge_index, jnp.stack([loops, loops])], axis=1)
    row, col = ei[0], ei[1]
    xw = x @ W
    ones = jnp.ones(ei.shape[1], dtype=x.dtype)
    deg = jax.ops.segment_sum(ones, col, num_segments=N)
    deg_inv_sqrt = jnp.where(deg > 0, 1.0 / jnp.sqrt(deg), 0.0)
    norm = deg_inv_sqrt[row] * deg_inv_sqrt[col]
    msgs = norm[:, None] * jnp.take(xw, row, axis=0)
    out = jax.ops.segment_sum(msgs, col, num_segments=N)
    return out + b


def setup_inputs(seed: int = 0) -> dict:
    key = jax.random.key(seed)
    k1, k2, k3, k4, k5, k6 = jax.random.split(key, 6)
    x = jax.random.normal(k1, (N_NODES, D_IN), dtype=jnp.float32)
    edge_index = jax.random.randint(k2, (2, N_EDGES), 0, N_NODES, dtype=jnp.int64)
    W1 = jax.random.normal(k3, (D_IN, D_HID), dtype=jnp.float32) * (1.0 / np.sqrt(D_IN))
    b1 = jnp.zeros((D_HID,), dtype=jnp.float32)
    W2 = jax.random.normal(k4, (D_HID, D_OUT), dtype=jnp.float32) * (1.0 / np.sqrt(D_HID))
    b2 = jnp.zeros((D_OUT,), dtype=jnp.float32)
    return {"x": x, "edge_index": edge_index, "W1": W1, "b1": b1, "W2": W2, "b2": b2}


def reference(x, edge_index, W1, b1, W2, b2):
    h = gcn_conv(x, edge_index, W1, b1)
    h = jax.nn.relu(h)
    out = gcn_conv(h, edge_index, W2, b2)
    return out

if __name__ == "__main__":
    import jax
    _d = setup_inputs()
    print(jax.jit(kernel)(*tuple(_d.values())))

</pallas_src>

<mosaic_0001>
#map = affine_map<(d0, d1) -> (0, 0, 0)>
#map1 = affine_map<(d0, d1) -> (0, 0)>
module attributes {stable_mosaic.version = 14 : i64} {
  func.func @_sc_degree(%arg0: i32, %arg1: i32, %arg2: memref<32x80x128xi32, #tpu.memory_space<hbm>>, %arg3: memref<20480x128xf32, #tpu.memory_space<hbm>>, %arg4: memref<80x128xi32, #tpu.memory_space<vmem>>, %arg5: memref<128x128xf32, #tpu.memory_space<vmem>>, %arg6: memref<!tpu.dma_semaphore, #tpu.memory_space<semaphore_mem>>, %arg7: memref<!tpu.dma_semaphore, #tpu.memory_space<semaphore_mem>>, %arg8: memref<10240x128xf32, #tpu.memory_space<vmem_shared>>) attributes {dimension_semantics = [#tpu.dimension_semantics<core_parallel>, #tpu.dimension_semantics<subcore_parallel>], iteration_bounds = array<i64: 2, 16>, scalar_prefetch = 0 : i64, scratch_operands = 5 : i64, tpu.core_type = #tpu.core_type<sc_vector_subcore>, window_params = [{transform_indices = #map}, {transform_indices = #map1}]} {
    %mul3A = arith.constant 16 : i32
    %mul3A_0 = arith.muli %arg0, %mul3A : i32
    %add3A = arith.addi %mul3A_0, %arg1 : i32
    "tpu.region"() ({
      %run_scoped3A = tpu.sem_alloc : memref<!tpu.dma_semaphore, #tpu.memory_space<semaphore_mem>>
      %dma_start3A = arith.constant 0 : i32
      %dma_start3A_28 = arith.constant 0 : i32
      %dma_start3A_29 = tpu.memref_slice %arg2[%add3A, %dma_start3A, %dma_start3A_28] : memref<32x80x128xi32, #tpu.memory_space<hbm>> -> memref<1x80x128xi32, #tpu.memory_space<hbm>>
      %dma_start3A_30 = tpu.memref_squeeze %dma_start3A_29 : memref<1x80x128xi32, #tpu.memory_space<hbm>> -> memref<80x128xi32, #tpu.memory_space<hbm>>
      %dma_start3A_31 = arith.constant 0 : i32
      %dma_start3A_32 = arith.constant 0 : i32
      %dma_start3A_33 = tpu.memref_slice %arg2[%add3A, %dma_start3A_31, %dma_start3A_32] : memref<32x80x128xi32, #tpu.memory_space<hbm>> -> memref<1x80x128xi32, #tpu.memory_space<hbm>>
      %dma_start3A_34 = tpu.memref_squeeze %dma_start3A_33 : memref<1x80x128xi32, #tpu.memory_space<hbm>> -> memref<80x128xi32, #tpu.memory_space<hbm>>
      tpu.enqueue_dma source(%dma_start3A_34 : memref<80x128xi32, #tpu.memory_space<hbm>>) target(%arg4 : memref<80x128xi32, #tpu.memory_space<vmem>>) target_semaphore(%run_scoped3A : memref<!tpu.dma_semaphore, #tpu.memory_space<semaphore_mem>>)
      %dma_wait3A = arith.constant 0 : i32
      %dma_wait3A_35 = arith.constant 0 : i32
      %dma_wait3A_36 = tpu.memref_slice %arg2[%add3A, %dma_wait3A, %dma_wait3A_35] : memref<32x80x128xi32, #tpu.memory_space<hbm>> -> memref<1x80x128xi32, #tpu.memory_space<hbm>>
      %dma_wait3A_37 = tpu.memref_squeeze %dma_wait3A_36 : memref<1x80x128xi32, #tpu.memory_space<hbm>> -> memref<80x128xi32, #tpu.memory_space<hbm>>
      %dma_wait3A_38 = arith.constant 0 : i32
      %dma_wait3A_39 = arith.constant 0 : i32
      %dma_wait3A_40 = tpu.memref_slice %arg2[%add3A, %dma_wait3A_38, %dma_wait3A_39] : memref<32x80x128xi32, #tpu.memory_space<hbm>> -> memref<1x80x128xi32, #tpu.memory_space<hbm>>
      %dma_wait3A_41 = tpu.memref_squeeze %dma_wait3A_40 : memref<1x80x128xi32, #tpu.memory_space<hbm>> -> memref<80x128xi32, #tpu.memory_space<hbm>>
      tpu.wait_dma2 semaphore(%run_scoped3A : memref<!tpu.dma_semaphore, #tpu.memory_space<semaphore_mem>>) src(%dma_wait3A_41 : memref<80x128xi32, #tpu.memory_space<hbm>>) dst(%arg4 : memref<80x128xi32, #tpu.memory_space<vmem>>)
      tpu.yield
    }) : () -> ()
    %scan3A = arith.constant 0 : i32
    %scan3A_1 = arith.constant 128 : i32
    %scan3A_2 = arith.addi %scan3A, %scan3A_1 : i32
    %scan3A_3 = arith.constant 1 : i32
    scf.for %scan3A_28 = %scan3A to %scan3A_2 step %scan3A_3  : i32 {
      %mul3A_29 = arith.constant 1 : i32
      %mul3A_30 = arith.muli %scan3A_28, %mul3A_29 : i32
      %add3A_31 = arith.constant 0 : i32
      %add3A_32 = arith.addi %add3A_31, %mul3A_30 : i32
      %scan3A_33 = arith.constant 0 : i32
      %scan3A_34 = arith.constant 8 : i32
      %scan3A_35 = arith.addi %scan3A_33, %scan3A_34 : i32
      %scan3A_36 = arith.constant 1 : i32
      scf.for %scan3A_38 = %scan3A_33 to %scan3A_35 step %scan3A_36  : i32 {
        %mul3A_39 = arith.constant 16 : i32
        %mul3A_40 = arith.muli %scan3A_38, %mul3A_39 : i32
        %add3A_41 = arith.constant 0 : i32
        %add3A_42 = arith.addi %add3A_41, %mul3A_40 : i32
        %broadcast_in_dim3A = arith.constant 0.000000e+00 : f32
        %broadcast_in_dim3A_43 = vector.broadcast %broadcast_in_dim3A : f32 to vector<16xf32>
        %swap3A = arith.index_cast %add3A_32 : i32 to index
        %swap3A_44 = arith.index_cast %add3A_42 : i32 to index
        %swap3A_45 = tpu.vector_load %arg5[%swap3A, %swap3A_44] {strides = array<i32>} : memref<128x128xf32, #tpu.memory_space<vmem>>, vector<1x16xf32>,
        %swap3A_46 = vector.shape_cast %swap3A_45 : vector<1x16xf32> to vector<16xf32>
        %swap3A_47 = vector.shape_cast %broadcast_in_dim3A_43 : vector<16xf32> to vector<1x16xf32>
        tpu.vector_store %arg5[%swap3A, %swap3A_44], %swap3A_47 {strides = array<i32>} : memref<128x128xf32, #tpu.memory_space<vmem>>, vector<1x16xf32>,
      }
      %scan3A_37 = arith.constant 8 : i32
    }
    %scan3A_4 = arith.constant 128 : i32
    %scan3A_5 = arith.constant 0 : i32
    %scan3A_6 = arith.constant 5 : i32
    %scan3A_7 = arith.addi %scan3A_5, %scan3A_6 : i32
    %scan3A_8 = arith.constant 1 : i32
    scf.for %scan3A_28 = %scan3A_5 to %scan3A_7 step %scan3A_8  : i32 {
      %mul3A_29 = arith.constant 128 : i32
      %mul3A_30 = arith.muli %scan3A_28, %mul3A_29 : i32
      %add3A_31 = arith.constant 0 : i32
      %add3A_32 = arith.addi %add3A_31, %mul3A_30 : i32
      %mul3A_33 = arith.constant 640 : i32
      %mul3A_34 = arith.muli %arg1, %mul3A_33 : i32
      %add3A_35 = arith.addi %mul3A_34, %add3A_32 : i32
      "tpu.region"() ({
        %run_scoped3A = tpu.sem_alloc : memref<!tpu.dma_semaphore, #tpu.memory_space<semaphore_mem>>
        %dma_start3A = arith.constant 0 : i32
        %dma_start3A_36 = tpu.memref_slice %arg8[%add3A_35, %dma_start3A] : memref<10240x128xf32, #tpu.memory_space<vmem_shared>> -> memref<128x128xf32, #tpu.memory_space<vmem_shared>>
        %dma_start3A_37 = arith.constant 0 : i32
        %dma_start3A_38 = tpu.memref_slice %arg8[%add3A_35, %dma_start3A_37] : memref<10240x128xf32, #tpu.memory_space<vmem_shared>> -> memref<128x128xf32, #tpu.memory_space<vmem_shared>>
        tpu.enqueue_dma source(%arg5 : memref<128x128xf32, #tpu.memory_space<vmem>>) target(%dma_start3A_38 : memref<128x128xf32, #tpu.memory_space<vmem_shared>>) target_semaphore(%run_scoped3A : memref<!tpu.dma_semaphore, #tpu.memory_space<semaphore_mem>>)
        %dma_wait3A = arith.constant 0 : i32
        %dma_wait3A_39 = tpu.memref_slice %arg8[%add3A_35, %dma_wait3A] : memref<10240x128xf32, #tpu.memory_space<vmem_shared>> -> memref<128x128xf32, #tpu.memory_space<vmem_shared>>
        %dma_wait3A_40 = arith.constant 0 : i32
        %dma_wait3A_41 = tpu.memref_slice %arg8[%add3A_35, %dma_wait3A_40] : memref<10240x128xf32, #tpu.memory_space<vmem_shared>> -> memref<128x128xf32, #tpu.memory_space<vmem_shared>>
        tpu.wait_dma2 semaphore(%run_scoped3A : memref<!tpu.dma_semaphore, #tpu.memory_space<semaphore_mem>>) src(%arg5 : memref<128x128xf32, #tpu.memory_space<vmem>>) dst(%dma_wait3A_41 : memref<128x128xf32, #tpu.memory_space<vmem_shared>>)
        tpu.yield
      }) : () -> ()
    }
    %scan3A_9 = arith.constant 5 : i32
    %scan3A_10 = arith.constant 0 : i32
    %scan3A_11 = arith.constant 128 : i32
    %scan3A_12 = arith.addi %scan3A_10, %scan3A_11 : i32
    %scan3A_13 = arith.constant 1 : i32
    scf.for %scan3A_28 = %scan3A_10 to %scan3A_12 step %scan3A_13  : i32 {
      %mul3A_29 = arith.constant 1 : i32
      %mul3A_30 = arith.muli %scan3A_28, %mul3A_29 : i32
      %add3A_31 = arith.constant 0 : i32
      %add3A_32 = arith.addi %add3A_31, %mul3A_30 : i32
      %scan3A_33 = arith.constant 0 : i32
      %scan3A_34 = arith.constant 8 : i32
      %scan3A_35 = arith.addi %scan3A_33, %scan3A_34 : i32
      %scan3A_36 = arith.constant 1 : i32
      scf.for %scan3A_38 = %scan3A_33 to %scan3A_35 step %scan3A_36  : i32 {
        %mul3A_39 = arith.constant 16 : i32
        %mul3A_40 = arith.muli %scan3A_38, %mul3A_39 : i32
        %add3A_41 = arith.constant 0 : i32
        %add3A_42 = arith.addi %add3A_41, %mul3A_40 : i32
        %broadcast_in_dim3A = arith.constant 1.000000e+00 : f32
        %broadcast_in_dim3A_43 = vector.broadcast %broadcast_in_dim3A : f32 to vector<16xf32>
        %swap3A = arith.index_cast %add3A_32 : i32 to index
        %swap3A_44 = arith.index_cast %add3A_42 : i32 to index
        %swap3A_45 = tpu.vector_load %arg5[%swap3A, %swap3A_44] {strides = array<i32>} : memref<128x128xf32, #tpu.memory_space<vmem>>, vector<1x16xf32>,
        %swap3A_46 = vector.shape_cast %swap3A_45 : vector<1x16xf32> to vector<16xf32>
        %swap3A_47 = vector.shape_cast %broadcast_in_dim3A_43 : vector<16xf32> to vector<1x16xf32>
        tpu.vector_store %arg5[%swap3A, %swap3A_44], %swap3A_47 {strides = array<i32>} : memref<128x128xf32, #tpu.memory_space<vmem>>, vector<1x16xf32>,
      }
      %scan3A_37 = arith.constant 8 : i32
    }
    %scan3A_14 = arith.constant 128 : i32
    %barrier3A = arith.constant 0 : index
    tpu.barrier barrier_id(%barrier3A)
    %scan3A_15 = arith.constant 0 : i32
    %scan3A_16 = arith.constant 40 : i32
    %scan3A_17 = arith.addi %scan3A_15, %scan3A_16 : i32
    %scan3A_18 = arith.constant 1 : i32
    scf.for %scan3A_28 = %scan3A_15 to %scan3A_17 step %scan3A_18  : i32 {
      %mul3A_29 = arith.constant 2 : i32
      %mul3A_30 = arith.muli %scan3A_28, %mul3A_29 : i32
      %add3A_31 = arith.constant 0 : i32
      %add3A_32 = arith.addi %add3A_31, %mul3A_30 : i32
      %dma_start3A = arith.constant 0 : i32
      %dma_start3A_33 = tpu.memref_slice %arg4[%add3A_32, %dma_start3A] : memref<80x128xi32, #tpu.memory_space<vmem>> -> memref<1x128xi32, #tpu.memory_space<vmem>>
      %dma_start3A_34 = tpu.memref_squeeze %dma_start3A_33 : memref<1x128xi32, #tpu.memory_space<vmem>> -> memref<128xi32, #tpu.memory_space<vmem>>
      %dma_start3A_35 = arith.constant 0 : i32
      %dma_start3A_36 = arith.constant 0 : i32
      %dma_start3A_37 = tpu.memref_slice %arg8[%dma_start3A_35, %dma_start3A_36] : memref<10240x128xf32, #tpu.memory_space<vmem_shared>> -> memref<10240x128xf32, #tpu.memory_space<vmem_shared>>
      tpu.enqueue_indirect_dma source(%arg5 : memref<128x128xf32, #tpu.memory_space<vmem>>) target(%dma_start3A_37 : memref<10240x128xf32, #tpu.memory_space<vmem_shared>>) offsets(%dma_start3A_34 : memref<128xi32, #tpu.memory_space<vmem>>) semaphore(%arg6 : memref<!tpu.dma_semaphore, #tpu.memory_space<semaphore_mem>>) {add = true}
      %add3A_38 = arith.constant 1 : i32
      %add3A_39 = arith.addi %add3A_32, %add3A_38 : i32
      %dma_start3A_40 = arith.constant 0 : i32
      %dma_start3A_41 = tpu.memref_slice %arg4[%add3A_39, %dma_start3A_40] : memref<80x128xi32, #tpu.memory_space<vmem>> -> memref<1x128xi32, #tpu.memory_space<vmem>>
      %dma_start3A_42 = tpu.memref_squeeze %dma_start3A_41 : memref<1x128xi32, #tpu.memory_space<vmem>> -> memref<128xi32, #tpu.memory_space<vmem>>
      %dma_start3A_43 = arith.constant 0 : i32
      %dma_start3A_44 = arith.constant 0 : i32
      %dma_start3A_45 = tpu.memref_slice %arg8[%dma_start3A_43, %dma_start3A_44] : memref<10240x128xf32, #tpu.memory_space<vmem_shared>> -> memref<10240x128xf32, #tpu.memory_space<vmem_shared>>
      tpu.enqueue_indirect_dma source(%arg5 : memref<128x128xf32, #tpu.memory_space<vmem>>) target(%dma_start3A_45 : memref<10240x128xf32, #tpu.memory_space<vmem_shared>>) offsets(%dma_start3A_42 : memref<128xi32, #tpu.memory_space<vmem>>) semaphore(%arg7 : memref<!tpu.dma_semaphore, #tpu.memory_space<semaphore_mem>>) {add = true}
      %dma_wait3A = arith.constant 0 : i32
      %dma_wait3A_46 = tpu.memref_slice %arg4[%add3A_32, %dma_wait3A] : memref<80x128xi32, #tpu.memory_space<vmem>> -> memref<1x128xi32, #tpu.memory_space<vmem>>
      %dma_wait3A_47 = tpu.memref_squeeze %dma_wait3A_46 : memref<1x128xi32, #tpu.memory_space<vmem>> -> memref<128xi32, #tpu.memory_space<vmem>>
      %dma_wait3A_48 = arith.constant 0 : i32
      %dma_wait3A_49 = arith.constant 0 : i32
      %dma_wait3A_50 = tpu.memref_slice %arg8[%dma_wait3A_48, %dma_wait3A_49] : memref<10240x128xf32, #tpu.memory_space<vmem_shared>> -> memref<10240x128xf32, #tpu.memory_space<vmem_shared>>
      tpu.wait_indirect_dma semaphore(%arg6 : memref<!tpu.dma_semaphore, #tpu.memory_space<semaphore_mem>>) src(%arg5 : memref<128x128xf32, #tpu.memory_space<vmem>>) dst(%dma_wait3A_50 : memref<10240x128xf32, #tpu.memory_space<vmem_shared>>)
      %dma_wait3A_51 = arith.constant 0 : i32
      %dma_wait3A_52 = tpu.memref_slice %arg4[%add3A_39, %dma_wait3A_51] : memref<80x128xi32, #tpu.memory_space<vmem>> -> memref<1x128xi32, #tpu.memory_space<vmem>>
      %dma_wait3A_53 = tpu.memref_squeeze %dma_wait3A_52 : memref<1x128xi32, #tpu.memory_space<vmem>> -> memref<128xi32, #tpu.memory_space<vmem>>
      %dma_wait3A_54 = arith.constant 0 : i32
      %dma_wait3A_55 = arith.constant 0 : i32
      %dma_wait3A_56 = tpu.memref_slice %arg8[%dma_wait3A_54, %dma_wait3A_55] : memref<10240x128xf32, #tpu.memory_space<vmem_shared>> -> memref<10240x128xf32, #tpu.memory_space<vmem_shared>>
      tpu.wait_indirect_dma semaphore(%arg7 : memref<!tpu.dma_semaphore, #tpu.memory_space<semaphore_mem>>) src(%arg5 : memref<128x128xf32, #tpu.memory_space<vmem>>) dst(%dma_wait3A_56 : memref<10240x128xf32, #tpu.memory_space<vmem_shared>>)
    }
    %scan3A_19 = arith.constant 40 : i32
    %barrier3A_20 = arith.constant 0 : index
    tpu.barrier barrier_id(%barrier3A_20)
    %mul3A_21 = arith.constant 640 : i32
    %mul3A_22 = arith.muli %arg1, %mul3A_21 : i32
    %mul3A_23 = arith.constant 10240 : i32
    %mul3A_24 = arith.muli %arg0, %mul3A_23 : i32
    %mul3A_25 = arith.constant 640 : i32
    %mul3A_26 = arith.muli %arg1, %mul3A_25 : i32
    %add3A_27 = arith.addi %mul3A_24, %mul3A_26 : i32
    "tpu.region"() ({
      %run_scoped3A = tpu.sem_alloc : memref<!tpu.dma_semaphore, #tpu.memory_space<semaphore_mem>>
      %dma_start3A = arith.constant 0 : i32
      %dma_start3A_28 = tpu.memref_slice %arg3[%add3A_27, %dma_start3A] : memref<20480x128xf32, #tpu.memory_space<hbm>> -> memref<640x128xf32, #tpu.memory_space<hbm>>
      %dma_start3A_29 = arith.constant 0 : i32
      %dma_start3A_30 = tpu.memref_slice %arg8[%mul3A_22, %dma_start3A_29] : memref<10240x128xf32, #tpu.memory_space<vmem_shared>> -> memref<640x128xf32, #tpu.memory_space<vmem_shared>>
      tpu.enqueue_dma source(%dma_start3A_30 : memref<640x128xf32, #tpu.memory_space<vmem_shared>>) target(%dma_start3A_28 : memref<640x128xf32, #tpu.memory_space<hbm>>) target_semaphore(%run_scoped3A : memref<!tpu.dma_semaphore, #tpu.memory_space<semaphore_mem>>)
      %dma_wait3A = arith.constant 0 : i32
      %dma_wait3A_31 = tpu.memref_slice %arg3[%add3A_27, %dma_wait3A] : memref<20480x128xf32, #tpu.memory_space<hbm>> -> memref<640x128xf32, #tpu.memory_space<hbm>>
      %dma_wait3A_32 = arith.constant 0 : i32
      %dma_wait3A_33 = tpu.memref_slice %arg8[%mul3A_22, %dma_wait3A_32] : memref<10240x128xf32, #tpu.memory_space<vmem_shared>> -> memref<640x128xf32, #tpu.memory_space<vmem_shared>>
      tpu.wait_dma2 semaphore(%run_scoped3A : memref<!tpu.dma_semaphore, #tpu.memory_space<semaphore_mem>>) src(%dma_wait3A_33 : memref<640x128xf32, #tpu.memory_space<vmem_shared>>) dst(%dma_wait3A_31 : memref<640x128xf32, #tpu.memory_space<hbm>>)
      tpu.yield
    }) : () -> ()
    return
  }
}

#map = affine_map<(d0, d1) -> (0, 0)>
#map1 = affine_map<(d0, d1) -> (0, 0, 0)>
module attributes {stable_mosaic.version = 14 : i64} {
  func.func @_sc_scatter(%arg0: i32, %arg1: i32, %arg2: memref<10240x128xf32, #tpu.memory_space<hbm>>, %arg3: memref<64x40x128xi32, #tpu.memory_space<hbm>>, %arg4: memref<64x40x128xi32, #tpu.memory_space<hbm>>, %arg5: memref<20480x128xf32, #tpu.memory_space<hbm>>, %arg6: memref<40x128xi32, #tpu.memory_space<vmem>>, %arg7: memref<40x128xi32, #tpu.memory_space<vmem>>, %arg8: memref<128x128xf32, #tpu.memory_space<vmem>>, %arg9: memref<128x128xf32, #tpu.memory_space<vmem>>, %arg10: memref<!tpu.dma_semaphore, #tpu.memory_space<semaphore_mem>>, %arg11: memref<!tpu.dma_semaphore, #tpu.memory_space<semaphore_mem>>, %arg12: memref<!tpu.dma_semaphore, #tpu.memory_space<semaphore_mem>>, %arg13: memref<!tpu.dma_semaphore, #tpu.memory_space<semaphore_mem>>, %arg14: memref<10240x128xf32, #tpu.memory_space<vmem_shared>>) attributes {dimension_semantics = [#tpu.dimension_semantics<core_parallel>, #tpu.dimension_semantics<subcore_parallel>], iteration_bounds = array<i64: 2, 16>, scalar_prefetch = 0 : i64, scratch_operands = 9 : i64, tpu.core_type = #tpu.core_type<sc_vector_subcore>, window_params = [{transform_indices = #map}, {transform_indices = #map1}, {transform_indices = #map1}, {transform_indices = #map}]} {
    %mul3A = arith.constant 16 : i32
    %mul3A_0 = arith.muli %arg0, %mul3A : i32
    %add3A = arith.addi %mul3A_0, %arg1 : i32
    %scan3A = arith.constant 0 : i32
    %scan3A_1 = arith.constant 128 : i32
    %scan3A_2 = arith.addi %scan3A, %scan3A_1 : i32
    %scan3A_3 = arith.constant 1 : i32
    scf.for %scan3A_44 = %scan3A to %scan3A_2 step %scan3A_3  : i32 {
      %mul3A_45 = arith.constant 1 : i32
      %mul3A_46 = arith.muli %scan3A_44, %mul3A_45 : i32
      %add3A_47 = arith.constant 0 : i32
      %add3A_48 = arith.addi %add3A_47, %mul3A_46 : i32
      %scan3A_49 = arith.constant 0 : i32
      %scan3A_50 = arith.constant 8 : i32
      %scan3A_51 = arith.addi %scan3A_49, %scan3A_50 : i32
      %scan3A_52 = arith.constant 1 : i32
      scf.for %scan3A_54 = %scan3A_49 to %scan3A_51 step %scan3A_52  : i32 {
        %mul3A_55 = arith.constant 16 : i32
        %mul3A_56 = arith.muli %scan3A_54, %mul3A_55 : i32
        %add3A_57 = arith.constant 0 : i32
        %add3A_58 = arith.addi %add3A_57, %mul3A_56 : i32
        %broadcast_in_dim3A = arith.constant 0.000000e+00 : f32
        %broadcast_in_dim3A_59 = vector.broadcast %broadcast_in_dim3A : f32 to vector<16xf32>
        %swap3A = arith.index_cast %add3A_48 : i32 to index
        %swap3A_60 = arith.index_cast %add3A_58 : i32 to index
        %swap3A_61 = tpu.vector_load %arg8[%swap3A, %swap3A_60] {strides = array<i32>} : memref<128x128xf32, #tpu.memory_space<vmem>>, vector<1x16xf32>,
        %swap3A_62 = vector.shape_cast %swap3A_61 : vector<1x16xf32> to vector<16xf32>
        %swap3A_63 = vector.shape_cast %broadcast_in_dim3A_59 : vector<16xf32> to vector<1x16xf32>
        tpu.vector_store %arg8[%swap3A, %swap3A_60], %swap3A_63 {strides = array<i32>} : memref<128x128xf32, #tpu.memory_space<vmem>>, vector<1x16xf32>,
      }
      %scan3A_53 = arith.constant 8 : i32
    }
    %scan3A_4 = arith.constant 128 : i32
    %scan3A_5 = arith.constant 0 : i32
    %scan3A_6 = arith.constant 5 : i32
    %scan3A_7 = arith.addi %scan3A_5, %scan3A_6 : i32
    %scan3A_8 = arith.constant 1 : i32
    scf.for %scan3A_44 = %scan3A_5 to %scan3A_7 step %scan3A_8  : i32 {
      %mul3A_45 = arith.constant 128 : i32
      %mul3A_46 = arith.muli %scan3A_44, %mul3A_45 : i32
      %add3A_47 = arith.constant 0 : i32
      %add3A_48 = arith.addi %add3A_47, %mul3A_46 : i32
      %mul3A_49 = arith.constant 640 : i32
      %mul3A_50 = arith.muli %arg1, %mul3A_49 : i32
      %add3A_51 = arith.addi %mul3A_50, %add3A_48 : i32
      "tpu.region"() ({
        %run_scoped3A = tpu.sem_alloc : memref<!tpu.dma_semaphore, #tpu.memory_space<semaphore_mem>>
        %dma_start3A = arith.constant 0 : i32
        %dma_start3A_52 = tpu.memref_slice %arg14[%add3A_51, %dma_start3A] : memref<10240x128xf32, #tpu.memory_space<vmem_shared>> -> memref<128x128xf32, #tpu.memory_space<vmem_shared>>
        %dma_start3A_53 = arith.constant 0 : i32
        %dma_start3A_54 = tpu.memref_slice %arg14[%add3A_51, %dma_start3A_53] : memref<10240x128xf32, #tpu.memory_space<vmem_shared>> -> memref<128x128xf32, #tpu.memory_space<vmem_shared>>
        tpu.enqueue_dma source(%arg8 : memref<128x128xf32, #tpu.memory_space<vmem>>) target(%dma_start3A_54 : memref<128x128xf32, #tpu.memory_space<vmem_shared>>) target_semaphore(%run_scoped3A : memref<!tpu.dma_semaphore, #tpu.memory_space<semaphore_mem>>)
        %dma_wait3A = arith.constant 0 : i32
        %dma_wait3A_55 = tpu.memref_slice %arg14[%add3A_51, %dma_wait3A] : memref<10240x128xf32, #tpu.memory_space<vmem_shared>> -> memref<128x128xf32, #tpu.memory_space<vmem_shared>>
        %dma_wait3A_56 = arith.constant 0 : i32
        %dma_wait3A_57 = tpu.memref_slice %arg14[%add3A_51, %dma_wait3A_56] : memref<10240x128xf32, #tpu.memory_space<vmem_shared>> -> memref<128x128xf32, #tpu.memory_space<vmem_shared>>
        tpu.wait_dma2 semaphore(%run_scoped3A : memref<!tpu.dma_semaphore, #tpu.memory_space<semaphore_mem>>) src(%arg8 : memref<128x128xf32, #tpu.memory_space<vmem>>) dst(%dma_wait3A_57 : memref<128x128xf32, #tpu.memory_space<vmem_shared>>)
        tpu.yield
      }) : () -> ()
    }
    %scan3A_9 = arith.constant 5 : i32
    %barrier3A = arith.constant 0 : index
    tpu.barrier barrier_id(%barrier3A)
    %mul3A_10 = arith.constant 2 : i32
    %mul3A_11 = arith.muli %add3A, %mul3A_10 : i32
    %add3A_12 = arith.constant 0 : i32
    %add3A_13 = arith.addi %mul3A_11, %add3A_12 : i32
    "tpu.region"() ({
      %run_scoped3A = tpu.sem_alloc : memref<!tpu.dma_semaphore, #tpu.memory_space<semaphore_mem>>
      %dma_start3A = arith.constant 0 : i32
      %dma_start3A_44 = arith.constant 0 : i32
      %dma_start3A_45 = tpu.memref_slice %arg3[%add3A_13, %dma_start3A, %dma_start3A_44] : memref<64x40x128xi32, #tpu.memory_space<hbm>> -> memref<1x40x128xi32, #tpu.memory_space<hbm>>
      %dma_start3A_46 = tpu.memref_squeeze %dma_start3A_45 : memref<1x40x128xi32, #tpu.memory_space<hbm>> -> memref<40x128xi32, #tpu.memory_space<hbm>>
      %dma_start3A_47 = arith.constant 0 : i32
      %dma_start3A_48 = arith.constant 0 : i32
      %dma_start3A_49 = tpu.memref_slice %arg3[%add3A_13, %dma_start3A_47, %dma_start3A_48] : memref<64x40x128xi32, #tpu.memory_space<hbm>> -> memref<1x40x128xi32, #tpu.memory_space<hbm>>
      %dma_start3A_50 = tpu.memref_squeeze %dma_start3A_49 : memref<1x40x128xi32, #tpu.memory_space<hbm>> -> memref<40x128xi32, #tpu.memory_space<hbm>>
      tpu.enqueue_dma source(%dma_start3A_50 : memref<40x128xi32, #tpu.memory_space<hbm>>) target(%arg6 : memref<40x128xi32, #tpu.memory_space<vmem>>) target_semaphore(%run_scoped3A : memref<!tpu.dma_semaphore, #tpu.memory_space<semaphore_mem>>)
      %dma_wait3A = arith.constant 0 : i32
      %dma_wait3A_51 = arith.constant 0 : i32
      %dma_wait3A_52 = tpu.memref_slice %arg3[%add3A_13, %dma_wait3A, %dma_wait3A_51] : memref<64x40x128xi32, #tpu.memory_space<hbm>> -> memref<1x40x128xi32, #tpu.memory_space<hbm>>
      %dma_wait3A_53 = tpu.memref_squeeze %dma_wait3A_52 : memref<1x40x128xi32, #tpu.memory_space<hbm>> -> memref<40x128xi32, #tpu.memory_space<hbm>>
      %dma_wait3A_54 = arith.constant 0 : i32
      %dma_wait3A_55 = arith.constant 0 : i32
      %dma_wait3A_56 = tpu.memref_slice %arg3[%add3A_13, %dma_wait3A_54, %dma_wait3A_55] : memref<64x40x128xi32, #tpu.memory_space<hbm>> -> memref<1x40x128xi32, #tpu.memory_space<hbm>>
      %dma_wait3A_57 = tpu.memref_squeeze %dma_wait3A_56 : memref<1x40x128xi32, #tpu.memory_space<hbm>> -> memref<40x128xi32, #tpu.memory_space<hbm>>
      tpu.wait_dma2 semaphore(%run_scoped3A : memref<!tpu.dma_semaphore, #tpu.memory_space<semaphore_mem>>) src(%dma_wait3A_57 : memref<40x128xi32, #tpu.memory_space<hbm>>) dst(%arg6 : memref<40x128xi32, #tpu.memory_space<vmem>>)
      tpu.yield
    }) : () -> ()
    %mul3A_14 = arith.constant 2 : i32
    %mul3A_15 = arith.muli %add3A, %mul3A_14 : i32
    %add3A_16 = arith.constant 0 : i32
    %add3A_17 = arith.addi %mul3A_15, %add3A_16 : i32
    "tpu.region"() ({
      %run_scoped3A = tpu.sem_alloc : memref<!tpu.dma_semaphore, #tpu.memory_space<semaphore_mem>>
      %dma_start3A = arith.constant 0 : i32
      %dma_start3A_44 = arith.constant 0 : i32
      %dma_start3A_45 = tpu.memref_slice %arg4[%add3A_17, %dma_start3A, %dma_start3A_44] : memref<64x40x128xi32, #tpu.memory_space<hbm>> -> memref<1x40x128xi32, #tpu.memory_space<hbm>>
      %dma_start3A_46 = tpu.memref_squeeze %dma_start3A_45 : memref<1x40x128xi32, #tpu.memory_space<hbm>> -> memref<40x128xi32, #tpu.memory_space<hbm>>
      %dma_start3A_47 = arith.constant 0 : i32
      %dma_start3A_48 = arith.constant 0 : i32
      %dma_start3A_49 = tpu.memref_slice %arg4[%add3A_17, %dma_start3A_47, %dma_start3A_48] : memref<64x40x128xi32, #tpu.memory_space<hbm>> -> memref<1x40x128xi32, #tpu.memory_space<hbm>>
      %dma_start3A_50 = tpu.memref_squeeze %dma_start3A_49 : memref<1x40x128xi32, #tpu.memory_space<hbm>> -> memref<40x128xi32, #tpu.memory_space<hbm>>
      tpu.enqueue_dma source(%dma_start3A_50 : memref<40x128xi32, #tpu.memory_space<hbm>>) target(%arg7 : memref<40x128xi32, #tpu.memory_space<vmem>>) target_semaphore(%run_scoped3A : memref<!tpu.dma_semaphore, #tpu.memory_space<semaphore_mem>>)
      %dma_wait3A = arith.constant 0 : i32
      %dma_wait3A_51 = arith.constant 0 : i32
      %dma_wait3A_52 = tpu.memref_slice %arg4[%add3A_17, %dma_wait3A, %dma_wait3A_51] : memref<64x40x128xi32, #tpu.memory_space<hbm>> -> memref<1x40x128xi32, #tpu.memory_space<hbm>>
      %dma_wait3A_53 = tpu.memref_squeeze %dma_wait3A_52 : memref<1x40x128xi32, #tpu.memory_space<hbm>> -> memref<40x128xi32, #tpu.memory_space<hbm>>
      %dma_wait3A_54 = arith.constant 0 : i32
      %dma_wait3A_55 = arith.constant 0 : i32
      %dma_wait3A_56 = tpu.memref_slice %arg4[%add3A_17, %dma_wait3A_54, %dma_wait3A_55] : memref<64x40x128xi32, #tpu.memory_space<hbm>> -> memref<1x40x128xi32, #tpu.memory_space<hbm>>
      %dma_wait3A_57 = tpu.memref_squeeze %dma_wait3A_56 : memref<1x40x128xi32, #tpu.memory_space<hbm>> -> memref<40x128xi32, #tpu.memory_space<hbm>>
      tpu.wait_dma2 semaphore(%run_scoped3A : memref<!tpu.dma_semaphore, #tpu.memory_space<semaphore_mem>>) src(%dma_wait3A_57 : memref<40x128xi32, #tpu.memory_space<hbm>>) dst(%arg7 : memref<40x128xi32, #tpu.memory_space<vmem>>)
      tpu.yield
    }) : () -> ()
    %scan3A_18 = arith.constant 0 : i32
    %scan3A_19 = arith.constant 20 : i32
    %scan3A_20 = arith.addi %scan3A_18, %scan3A_19 : i32
    %scan3A_21 = arith.constant 1 : i32
    scf.for %scan3A_44 = %scan3A_18 to %scan3A_20 step %scan3A_21  : i32 {
      %mul3A_45 = arith.constant 2 : i32
      %mul3A_46 = arith.muli %scan3A_44, %mul3A_45 : i32
      %add3A_47 = arith.constant 0 : i32
      %add3A_48 = arith.addi %add3A_47, %mul3A_46 : i32
      %dma_start3A = arith.constant 0 : i32
      %dma_start3A_49 = tpu.memref_slice %arg6[%add3A_48, %dma_start3A] : memref<40x128xi32, #tpu.memory_space<vmem>> -> memref<1x128xi32, #tpu.memory_space<vmem>>
      %dma_start3A_50 = tpu.memref_squeeze %dma_start3A_49 : memref<1x128xi32, #tpu.memory_space<vmem>> -> memref<128xi32, #tpu.memory_space<vmem>>
      %dma_start3A_51 = arith.constant 0 : i32
      %dma_start3A_52 = arith.constant 0 : i32
      %dma_start3A_53 = tpu.memref_slice %arg2[%dma_start3A_51, %dma_start3A_52] : memref<10240x128xf32, #tpu.memory_space<hbm>> -> memref<10240x128xf32, #tpu.memory_space<hbm>>
      tpu.enqueue_indirect_dma source(%dma_start3A_53 : memref<10240x128xf32, #tpu.memory_space<hbm>>) target(%arg8 : memref<128x128xf32, #tpu.memory_space<vmem>>) offsets(%dma_start3A_50 : memref<128xi32, #tpu.memory_space<vmem>>) semaphore(%arg10 : memref<!tpu.dma_semaphore, #tpu.memory_space<semaphore_mem>>)
      %add3A_54 = arith.constant 1 : i32
      %add3A_55 = arith.addi %add3A_48, %add3A_54 : i32
      %dma_start3A_56 = arith.constant 0 : i32
      %dma_start3A_57 = tpu.memref_slice %arg6[%add3A_55, %dma_start3A_56] : memref<40x128xi32, #tpu.memory_space<vmem>> -> memref<1x128xi32, #tpu.memory_space<vmem>>
      %dma_start3A_58 = tpu.memref_squeeze %dma_start3A_57 : memref<1x128xi32, #tpu.memory_space<vmem>> -> memref<128xi32, #tpu.memory_space<vmem>>
      %dma_start3A_59 = arith.constant 0 : i32
      %dma_start3A_60 = arith.constant 0 : i32
      %dma_start3A_61 = tpu.memref_slice %arg2[%dma_start3A_59, %dma_start3A_60] : memref<10240x128xf32, #tpu.memory_space<hbm>> -> memref<10240x128xf32, #tpu.memory_space<hbm>>
      tpu.enqueue_indirect_dma source(%dma_start3A_61 : memref<10240x128xf32, #tpu.memory_space<hbm>>) target(%arg9 : memref<128x128xf32, #tpu.memory_space<vmem>>) offsets(%dma_start3A_58 : memref<128xi32, #tpu.memory_space<vmem>>) semaphore(%arg12 : memref<!tpu.dma_semaphore, #tpu.memory_space<semaphore_mem>>)
      %dma_wait3A = arith.constant 0 : i32
      %dma_wait3A_62 = tpu.memref_slice %arg6[%add3A_48, %dma_wait3A] : memref<40x128xi32, #tpu.memory_space<vmem>> -> memref<1x128xi32, #tpu.memory_space<vmem>>
      %dma_wait3A_63 = tpu.memref_squeeze %dma_wait3A_62 : memref<1x128xi32, #tpu.memory_space<vmem>> -> memref<128xi32, #tpu.memory_space<vmem>>
      %dma_wait3A_64 = arith.constant 0 : i32
      %dma_wait3A_65 = arith.constant 0 : i32
      %dma_wait3A_66 = tpu.memref_slice %arg2[%dma_wait3A_64, %dma_wait3A_65] : memref<10240x128xf32, #tpu.memory_space<hbm>> -> memref<10240x128xf32, #tpu.memory_space<hbm>>
      tpu.wait_indirect_dma semaphore(%arg10 : memref<!tpu.dma_semaphore, #tpu.memory_space<semaphore_mem>>) src(%dma_wait3A_66 : memref<10240x128xf32, #tpu.memory_space<hbm>>) dst(%arg8 : memref<128x128xf32, #tpu.memory_space<vmem>>)
      %dma_start3A_67 = arith.constant 0 : i32
      %dma_start3A_68 = tpu.memref_slice %arg7[%add3A_48, %dma_start3A_67] : memref<40x128xi32, #tpu.memory_space<vmem>> -> memref<1x128xi32, #tpu.memory_space<vmem>>
      %dma_start3A_69 = tpu.memref_squeeze %dma_start3A_68 : memref<1x128xi32, #tpu.memory_space<vmem>> -> memref<128xi32, #tpu.memory_space<vmem>>
      %dma_start3A_70 = arith.constant 0 : i32
      %dma_start3A_71 = arith.constant 0 : i32
      %dma_start3A_72 = tpu.memref_slice %arg14[%dma_start3A_70, %dma_start3A_71] : memref<10240x128xf32, #tpu.memory_space<vmem_shared>> -> memref<10240x128xf32, #tpu.memory_space<vmem_shared>>
      tpu.enqueue_indirect_dma source(%arg8 : memref<128x128xf32, #tpu.memory_space<vmem>>) target(%dma_start3A_72 : memref<10240x128xf32, #tpu.memory_space<vmem_shared>>) offsets(%dma_start3A_69 : memref<128xi32, #tpu.memory_space<vmem>>) semaphore(%arg11 : memref<!tpu.dma_semaphore, #tpu.memory_space<semaphore_mem>>) {add = true}
      %dma_wait3A_73 = arith.constant 0 : i32
      %dma_wait3A_74 = tpu.memref_slice %arg6[%add3A_55, %dma_wait3A_73] : memref<40x128xi32, #tpu.memory_space<vmem>> -> memref<1x128xi32, #tpu.memory_space<vmem>>
      %dma_wait3A_75 = tpu.memref_squeeze %dma_wait3A_74 : memref<1x128xi32, #tpu.memory_space<vmem>> -> memref<128xi32, #tpu.memory_space<vmem>>
      %dma_wait3A_76 = arith.constant 0 : i32
      %dma_wait3A_77 = arith.constant 0 : i32
      %dma_wait3A_78 = tpu.memref_slice %arg2[%dma_wait3A_76, %dma_wait3A_77] : memref<10240x128xf32, #tpu.memory_space<hbm>> -> memref<10240x128xf32, #tpu.memory_space<hbm>>
      tpu.wait_indirect_dma semaphore(%arg12 : memref<!tpu.dma_semaphore, #tpu.memory_space<semaphore_mem>>) src(%dma_wait3A_78 : memref<10240x128xf32, #tpu.memory_space<hbm>>) dst(%arg9 : memref<128x128xf32, #tpu.memory_space<vmem>>)
      %add3A_79 = arith.constant 1 : i32
      %add3A_80 = arith.addi %add3A_48, %add3A_79 : i32
      %dma_start3A_81 = arith.constant 0 : i32
      %dma_start3A_82 = tpu.memref_slice %arg7[%add3A_80, %dma_start3A_81] : memref<40x128xi32, #tpu.memory_space<vmem>> -> memref<1x128xi32, #tpu.memory_space<vmem>>
      %dma_start3A_83 = tpu.memref_squeeze %dma_start3A_82 : memref<1x128xi32, #tpu.memory_space<vmem>> -> memref<128xi32, #tpu.memory_space<vmem>>
      %dma_start3A_84 = arith.constant 0 : i32
      %dma_start3A_85 = arith.constant 0 : i32
      %dma_start3A_86 = tpu.memref_slice %arg14[%dma_start3A_84, %dma_start3A_85] : memref<10240x128xf32, #tpu.memory_space<vmem_shared>> -> memref<10240x128xf32, #tpu.memory_space<vmem_shared>>
      tpu.enqueue_indirect_dma source(%arg9 : memref<128x128xf32, #tpu.memory_space<vmem>>) target(%dma_start3A_86 : memref<10240x128xf32, #tpu.memory_space<vmem_shared>>) offsets(%dma_start3A_83 : memref<128xi32, #tpu.memory_space<vmem>>) semaphore(%arg13 : memref<!tpu.dma_semaphore, #tpu.memory_space<semaphore_mem>>) {add = true}
      %dma_wait3A_87 = arith.constant 0 : i32
      %dma_wait3A_88 = tpu.memref_slice %arg7[%add3A_48, %dma_wait3A_87] : memref<40x128xi32, #tpu.memory_space<vmem>> -> memref<1x128xi32, #tpu.memory_space<vmem>>
      %dma_wait3A_89 = tpu.memref_squeeze %dma_wait3A_88 : memref<1x128xi32, #tpu.memory_space<vmem>> -> memref<128xi32, #tpu.memory_space<vmem>>
      %dma_wait3A_90 = arith.constant 0 : i32
      %dma_wait3A_91 = arith.constant 0 : i32
      %dma_wait3A_92 = tpu.memref_slice %arg14[%dma_wait3A_90, %dma_wait3A_91] : memref<10240x128xf32, #tpu.memory_space<vmem_shared>> -> memref<10240x128xf32, #tpu.memory_space<vmem_shared>>
      tpu.wait_indirect_dma semaphore(%arg11 : memref<!tpu.dma_semaphore, #tpu.memory_space<semaphore_mem>>) src(%arg8 : memref<128x128xf32, #tpu.memory_space<vmem>>) dst(%dma_wait3A_92 : memref<10240x128xf32, #tpu.memory_space<vmem_shared>>)
      %dma_wait3A_93 = arith.constant 0 : i32
      %dma_wait3A_94 = tpu.memref_slice %arg7[%add3A_80, %dma_wait3A_93] : memref<40x128xi32, #tpu.memory_space<vmem>> -> memref<1x128xi32, #tpu.memory_space<vmem>>
      %dma_wait3A_95 = tpu.memref_squeeze %dma_wait3A_94 : memref<1x128xi32, #tpu.memory_space<vmem>> -> memref<128xi32, #tpu.memory_space<vmem>>
      %dma_wait3A_96 = arith.constant 0 : i32
      %dma_wait3A_97 = arith.constant 0 : i32
      %dma_wait3A_98 = tpu.memref_slice %arg14[%dma_wait3A_96, %dma_wait3A_97] : memref<10240x128xf32, #tpu.memory_space<vmem_shared>> -> memref<10240x128xf32, #tpu.memory_space<vmem_shared>>
      tpu.wait_indirect_dma semaphore(%arg13 : memref<!tpu.dma_semaphore, #tpu.memory_space<semaphore_mem>>) src(%arg9 : memref<128x128xf32, #tpu.memory_space<vmem>>) dst(%dma_wait3A_98 : memref<10240x128xf32, #tpu.memory_space<vmem_shared>>)
    }
    %scan3A_22 = arith.constant 20 : i32
    %mul3A_23 = arith.constant 2 : i32
    %mul3A_24 = arith.muli %add3A, %mul3A_23 : i32
    %add3A_25 = arith.constant 1 : i32
    %add3A_26 = arith.addi %mul3A_24, %add3A_25 : i32
    "tpu.region"() ({
      %run_scoped3A = tpu.sem_alloc : memref<!tpu.dma_semaphore, #tpu.memory_space<semaphore_mem>>
      %dma_start3A = arith.constant 0 : i32
      %dma_start3A_44 = arith.constant 0 : i32
      %dma_start3A_45 = tpu.memref_slice %arg3[%add3A_26, %dma_start3A, %dma_start3A_44] : memref<64x40x128xi32, #tpu.memory_space<hbm>> -> memref<1x40x128xi32, #tpu.memory_space<hbm>>
      %dma_start3A_46 = tpu.memref_squeeze %dma_start3A_45 : memref<1x40x128xi32, #tpu.memory_space<hbm>> -> memref<40x128xi32, #tpu.memory_space<hbm>>
      %dma_start3A_47 = arith.constant 0 : i32
      %dma_start3A_48 = arith.constant 0 : i32
      %dma_start3A_49 = tpu.memref_slice %arg3[%add3A_26, %dma_start3A_47, %dma_start3A_48] : memref<64x40x128xi32, #tpu.memory_space<hbm>> -> memref<1x40x128xi32, #tpu.memory_space<hbm>>
      %dma_start3A_50 = tpu.memref_squeeze %dma_start3A_49 : memref<1x40x128xi32, #tpu.memory_space<hbm>> -> memref<40x128xi32, #tpu.memory_space<hbm>>
      tpu.enqueue_dma source(%dma_start3A_50 : memref<40x128xi32, #tpu.memory_space<hbm>>) target(%arg6 : memref<40x128xi32, #tpu.memory_space<vmem>>) target_semaphore(%run_scoped3A : memref<!tpu.dma_semaphore, #tpu.memory_space<semaphore_mem>>)
      %dma_wait3A = arith.constant 0 : i32
      %dma_wait3A_51 = arith.constant 0 : i32
      %dma_wait3A_52 = tpu.memref_slice %arg3[%add3A_26, %dma_wait3A, %dma_wait3A_51] : memref<64x40x128xi32, #tpu.memory_space<hbm>> -> memref<1x40x128xi32, #tpu.memory_space<hbm>>
      %dma_wait3A_53 = tpu.memref_squeeze %dma_wait3A_52 : memref<1x40x128xi32, #tpu.memory_space<hbm>> -> memref<40x128xi32, #tpu.memory_space<hbm>>
      %dma_wait3A_54 = arith.constant 0 : i32
      %dma_wait3A_55 = arith.constant 0 : i32
      %dma_wait3A_56 = tpu.memref_slice %arg3[%add3A_26, %dma_wait3A_54, %dma_wait3A_55] : memref<64x40x128xi32, #tpu.memory_space<hbm>> -> memref<1x40x128xi32, #tpu.memory_space<hbm>>
      %dma_wait3A_57 = tpu.memref_squeeze %dma_wait3A_56 : memref<1x40x128xi32, #tpu.memory_space<hbm>> -> memref<40x128xi32, #tpu.memory_space<hbm>>
      tpu.wait_dma2 semaphore(%run_scoped3A : memref<!tpu.dma_semaphore, #tpu.memory_space<semaphore_mem>>) src(%dma_wait3A_57 : memref<40x128xi32, #tpu.memory_space<hbm>>) dst(%arg6 : memref<40x128xi32, #tpu.memory_space<vmem>>)
      tpu.yield
    }) : () -> ()
    %mul3A_27 = arith.constant 2 : i32
    %mul3A_28 = arith.muli %add3A, %mul3A_27 : i32
    %add3A_29 = arith.constant 1 : i32
    %add3A_30 = arith.addi %mul3A_28, %add3A_29 : i32
    "tpu.region"() ({
      %run_scoped3A = tpu.sem_alloc : memref<!tpu.dma_semaphore, #tpu.memory_space<semaphore_mem>>
      %dma_start3A = arith.constant 0 : i32
      %dma_start3A_44 = arith.constant 0 : i32
      %dma_start3A_45 = tpu.memref_slice %arg4[%add3A_30, %dma_start3A, %dma_start3A_44] : memref<64x40x128xi32, #tpu.memory_space<hbm>> -> memref<1x40x128xi32, #tpu.memory_space<hbm>>
      %dma_start3A_46 = tpu.memref_squeeze %dma_start3A_45 : memref<1x40x128xi32, #tpu.memory_space<hbm>> -> memref<40x128xi32, #tpu.memory_space<hbm>>
      %dma_start3A_47 = arith.constant 0 : i32
      %dma_start3A_48 = arith.constant 0 : i32
      %dma_start3A_49 = tpu.memref_slice %arg4[%add3A_30, %dma_start3A_47, %dma_start3A_48] : memref<64x40x128xi32, #tpu.memory_space<hbm>> -> memref<1x40x128xi32, #tpu.memory_space<hbm>>
      %dma_start3A_50 = tpu.memref_squeeze %dma_start3A_49 : memref<1x40x128xi32, #tpu.memory_space<hbm>> -> memref<40x128xi32, #tpu.memory_space<hbm>>
      tpu.enqueue_dma source(%dma_start3A_50 : memref<40x128xi32, #tpu.memory_space<hbm>>) target(%arg7 : memref<40x128xi32, #tpu.memory_space<vmem>>) target_semaphore(%run_scoped3A : memref<!tpu.dma_semaphore, #tpu.memory_space<semaphore_mem>>)
      %dma_wait3A = arith.constant 0 : i32
      %dma_wait3A_51 = arith.constant 0 : i32
      %dma_wait3A_52 = tpu.memref_slice %arg4[%add3A_30, %dma_wait3A, %dma_wait3A_51] : memref<64x40x128xi32, #tpu.memory_space<hbm>> -> memref<1x40x128xi32, #tpu.memory_space<hbm>>
      %dma_wait3A_53 = tpu.memref_squeeze %dma_wait3A_52 : memref<1x40x128xi32, #tpu.memory_space<hbm>> -> memref<40x128xi32, #tpu.memory_space<hbm>>
      %dma_wait3A_54 = arith.constant 0 : i32
      %dma_wait3A_55 = arith.constant 0 : i32
      %dma_wait3A_56 = tpu.memref_slice %arg4[%add3A_30, %dma_wait3A_54, %dma_wait3A_55] : memref<64x40x128xi32, #tpu.memory_space<hbm>> -> memref<1x40x128xi32, #tpu.memory_space<hbm>>
      %dma_wait3A_57 = tpu.memref_squeeze %dma_wait3A_56 : memref<1x40x128xi32, #tpu.memory_space<hbm>> -> memref<40x128xi32, #tpu.memory_space<hbm>>
      tpu.wait_dma2 semaphore(%run_scoped3A : memref<!tpu.dma_semaphore, #tpu.memory_space<semaphore_mem>>) src(%dma_wait3A_57 : memref<40x128xi32, #tpu.memory_space<hbm>>) dst(%arg7 : memref<40x128xi32, #tpu.memory_space<vmem>>)
      tpu.yield
    }) : () -> ()
    %scan3A_31 = arith.constant 0 : i32
    %scan3A_32 = arith.constant 20 : i32
    %scan3A_33 = arith.addi %scan3A_31, %scan3A_32 : i32
    %scan3A_34 = arith.constant 1 : i32
    scf.for %scan3A_44 = %scan3A_31 to %scan3A_33 step %scan3A_34  : i32 {
      %mul3A_45 = arith.constant 2 : i32
      %mul3A_46 = arith.muli %scan3A_44, %mul3A_45 : i32
      %add3A_47 = arith.constant 0 : i32
      %add3A_48 = arith.addi %add3A_47, %mul3A_46 : i32
      %dma_start3A = arith.constant 0 : i32
      %dma_start3A_49 = tpu.memref_slice %arg6[%add3A_48, %dma_start3A] : memref<40x128xi32, #tpu.memory_space<vmem>> -> memref<1x128xi32, #tpu.memory_space<vmem>>
      %dma_start3A_50 = tpu.memref_squeeze %dma_start3A_49 : memref<1x128xi32, #tpu.memory_space<vmem>> -> memref<128xi32, #tpu.memory_space<vmem>>
      %dma_start3A_51 = arith.constant 0 : i32
      %dma_start3A_52 = arith.constant 0 : i32
      %dma_start3A_53 = tpu.memref_slice %arg2[%dma_start3A_51, %dma_start3A_52] : memref<10240x128xf32, #tpu.memory_space<hbm>> -> memref<10240x128xf32, #tpu.memory_space<hbm>>
      tpu.enqueue_indirect_dma source(%dma_start3A_53 : memref<10240x128xf32, #tpu.memory_space<hbm>>) target(%arg8 : memref<128x128xf32, #tpu.memory_space<vmem>>) offsets(%dma_start3A_50 : memref<128xi32, #tpu.memory_space<vmem>>) semaphore(%arg10 : memref<!tpu.dma_semaphore, #tpu.memory_space<semaphore_mem>>)
      %add3A_54 = arith.constant 1 : i32
      %add3A_55 = arith.addi %add3A_48, %add3A_54 : i32
      %dma_start3A_56 = arith.constant 0 : i32
      %dma_start3A_57 = tpu.memref_slice %arg6[%add3A_55, %dma_start3A_56] : memref<40x128xi32, #tpu.memory_space<vmem>> -> memref<1x128xi32, #tpu.memory_space<vmem>>
      %dma_start3A_58 = tpu.memref_squeeze %dma_start3A_57 : memref<1x128xi32, #tpu.memory_space<vmem>> -> memref<128xi32, #tpu.memory_space<vmem>>
      %dma_start3A_59 = arith.constant 0 : i32
      %dma_start3A_60 = arith.constant 0 : i32
      %dma_start3A_61 = tpu.memref_slice %arg2[%dma_start3A_59, %dma_start3A_60] : memref<10240x128xf32, #tpu.memory_space<hbm>> -> memref<10240x128xf32, #tpu.memory_space<hbm>>
      tpu.enqueue_indirect_dma source(%dma_start3A_61 : memref<10240x128xf32, #tpu.memory_space<hbm>>) target(%arg9 : memref<128x128xf32, #tpu.memory_space<vmem>>) offsets(%dma_start3A_58 : memref<128xi32, #tpu.memory_space<vmem>>) semaphore(%arg12 : memref<!tpu.dma_semaphore, #tpu.memory_space<semaphore_mem>>)
      %dma_wait3A = arith.constant 0 : i32
      %dma_wait3A_62 = tpu.memref_slice %arg6[%add3A_48, %dma_wait3A] : memref<40x128xi32, #tpu.memory_space<vmem>> -> memref<1x128xi32, #tpu.memory_space<vmem>>
      %dma_wait3A_63 = tpu.memref_squeeze %dma_wait3A_62 : memref<1x128xi32, #tpu.memory_space<vmem>> -> memref<128xi32, #tpu.memory_space<vmem>>
      %dma_wait3A_64 = arith.constant 0 : i32
      %dma_wait3A_65 = arith.constant 0 : i32
      %dma_wait3A_66 = tpu.memref_slice %arg2[%dma_wait3A_64, %dma_wait3A_65] : memref<10240x128xf32, #tpu.memory_space<hbm>> -> memref<10240x128xf32, #tpu.memory_space<hbm>>
      tpu.wait_indirect_dma semaphore(%arg10 : memref<!tpu.dma_semaphore, #tpu.memory_space<semaphore_mem>>) src(%dma_wait3A_66 : memref<10240x128xf32, #tpu.memory_space<hbm>>) dst(%arg8 : memref<128x128xf32, #tpu.memory_space<vmem>>)
      %dma_start3A_67 = arith.constant 0 : i32
      %dma_start3A_68 = tpu.memref_slice %arg7[%add3A_48, %dma_start3A_67] : memref<40x128xi32, #tpu.memory_space<vmem>> -> memref<1x128xi32, #tpu.memory_space<vmem>>
      %dma_start3A_69 = tpu.memref_squeeze %dma_start3A_68 : memref<1x128xi32, #tpu.memory_space<vmem>> -> memref<128xi32, #tpu.memory_space<vmem>>
      %dma_start3A_70 = arith.constant 0 : i32
      %dma_start3A_71 = arith.constant 0 : i32
      %dma_start3A_72 = tpu.memref_slice %arg14[%dma_start3A_70, %dma_start3A_71] : memref<10240x128xf32, #tpu.memory_space<vmem_shared>> -> memref<10240x128xf32, #tpu.memory_space<vmem_shared>>
      tpu.enqueue_indirect_dma source(%arg8 : memref<128x128xf32, #tpu.memory_space<vmem>>) target(%dma_start3A_72 : memref<10240x128xf32, #tpu.memory_space<vmem_shared>>) offsets(%dma_start3A_69 : memref<128xi32, #tpu.memory_space<vmem>>) semaphore(%arg11 : memref<!tpu.dma_semaphore, #tpu.memory_space<semaphore_mem>>) {add = true}
      %dma_wait3A_73 = arith.constant 0 : i32
      %dma_wait3A_74 = tpu.memref_slice %arg6[%add3A_55, %dma_wait3A_73] : memref<40x128xi32, #tpu.memory_space<vmem>> -> memref<1x128xi32, #tpu.memory_space<vmem>>
      %dma_wait3A_75 = tpu.memref_squeeze %dma_wait3A_74 : memref<1x128xi32, #tpu.memory_space<vmem>> -> memref<128xi32, #tpu.memory_space<vmem>>
      %dma_wait3A_76 = arith.constant 0 : i32
      %dma_wait3A_77 = arith.constant 0 : i32
      %dma_wait3A_78 = tpu.memref_slice %arg2[%dma_wait3A_76, %dma_wait3A_77] : memref<10240x128xf32, #tpu.memory_space<hbm>> -> memref<10240x128xf32, #tpu.memory_space<hbm>>
      tpu.wait_indirect_dma semaphore(%arg12 : memref<!tpu.dma_semaphore, #tpu.memory_space<semaphore_mem>>) src(%dma_wait3A_78 : memref<10240x128xf32, #tpu.memory_space<hbm>>) dst(%arg9 : memref<128x128xf32, #tpu.memory_space<vmem>>)
      %add3A_79 = arith.constant 1 : i32
      %add3A_80 = arith.addi %add3A_48, %add3A_79 : i32
      %dma_start3A_81 = arith.constant 0 : i32
      %dma_start3A_82 = tpu.memref_slice %arg7[%add3A_80, %dma_start3A_81] : memref<40x128xi32, #tpu.memory_space<vmem>> -> memref<1x128xi32, #tpu.memory_space<vmem>>
      %dma_start3A_83 = tpu.memref_squeeze %dma_start3A_82 : memref<1x128xi32, #tpu.memory_space<vmem>> -> memref<128xi32, #tpu.memory_space<vmem>>
      %dma_start3A_84 = arith.constant 0 : i32
      %dma_start3A_85 = arith.constant 0 : i32
      %dma_start3A_86 = tpu.memref_slice %arg14[%dma_start3A_84, %dma_start3A_85] : memref<10240x128xf32, #tpu.memory_space<vmem_shared>> -> memref<10240x128xf32, #tpu.memory_space<vmem_shared>>
      tpu.enqueue_indirect_dma source(%arg9 : memref<128x128xf32, #tpu.memory_space<vmem>>) target(%dma_start3A_86 : memref<10240x128xf32, #tpu.memory_space<vmem_shared>>) offsets(%dma_start3A_83 : memref<128xi32, #tpu.memory_space<vmem>>) semaphore(%arg13 : memref<!tpu.dma_semaphore, #tpu.memory_space<semaphore_mem>>) {add = true}
      %dma_wait3A_87 = arith.constant 0 : i32
      %dma_wait3A_88 = tpu.memref_slice %arg7[%add3A_48, %dma_wait3A_87] : memref<40x128xi32, #tpu.memory_space<vmem>> -> memref<1x128xi32, #tpu.memory_space<vmem>>
      %dma_wait3A_89 = tpu.memref_squeeze %dma_wait3A_88 : memref<1x128xi32, #tpu.memory_space<vmem>> -> memref<128xi32, #tpu.memory_space<vmem>>
      %dma_wait3A_90 = arith.constant 0 : i32
      %dma_wait3A_91 = arith.constant 0 : i32
      %dma_wait3A_92 = tpu.memref_slice %arg14[%dma_wait3A_90, %dma_wait3A_91] : memref<10240x128xf32, #tpu.memory_space<vmem_shared>> -> memref<10240x128xf32, #tpu.memory_space<vmem_shared>>
      tpu.wait_indirect_dma semaphore(%arg11 : memref<!tpu.dma_semaphore, #tpu.memory_space<semaphore_mem>>) src(%arg8 : memref<128x128xf32, #tpu.memory_space<vmem>>) dst(%dma_wait3A_92 : memref<10240x128xf32, #tpu.memory_space<vmem_shared>>)
      %dma_wait3A_93 = arith.constant 0 : i32
      %dma_wait3A_94 = tpu.memref_slice %arg7[%add3A_80, %dma_wait3A_93] : memref<40x128xi32, #tpu.memory_space<vmem>> -> memref<1x128xi32, #tpu.memory_space<vmem>>
      %dma_wait3A_95 = tpu.memref_squeeze %dma_wait3A_94 : memref<1x128xi32, #tpu.memory_space<vmem>> -> memref<128xi32, #tpu.memory_space<vmem>>
      %dma_wait3A_96 = arith.constant 0 : i32
      %dma_wait3A_97 = arith.constant 0 : i32
      %dma_wait3A_98 = tpu.memref_slice %arg14[%dma_wait3A_96, %dma_wait3A_97] : memref<10240x128xf32, #tpu.memory_space<vmem_shared>> -> memref<10240x128xf32, #tpu.memory_space<vmem_shared>>
      tpu.wait_indirect_dma semaphore(%arg13 : memref<!tpu.dma_semaphore, #tpu.memory_space<semaphore_mem>>) src(%arg9 : memref<128x128xf32, #tpu.memory_space<vmem>>) dst(%dma_wait3A_98 : memref<10240x128xf32, #tpu.memory_space<vmem_shared>>)
    }
    %scan3A_35 = arith.constant 20 : i32
    %barrier3A_36 = arith.constant 0 : index
    tpu.barrier barrier_id(%barrier3A_36)
    %mul3A_37 = arith.constant 640 : i32
    %mul3A_38 = arith.muli %arg1, %mul3A_37 : i32
    %mul3A_39 = arith.constant 10240 : i32
    %mul3A_40 = arith.muli %arg0, %mul3A_39 : i32
    %mul3A_41 = arith.constant 640 : i32
    %mul3A_42 = arith.muli %arg1, %mul3A_41 : i32
    %add3A_43 = arith.addi %mul3A_40, %mul3A_42 : i32
    "tpu.region"() ({
      %run_scoped3A = tpu.sem_alloc : memref<!tpu.dma_semaphore, #tpu.memory_space<semaphore_mem>>
      %dma_start3A = arith.constant 0 : i32
      %dma_start3A_44 = tpu.memref_slice %arg5[%add3A_43, %dma_start3A] : memref<20480x128xf32, #tpu.memory_space<hbm>> -> memref<640x128xf32, #tpu.memory_space<hbm>>
      %dma_start3A_45 = arith.constant 0 : i32
      %dma_start3A_46 = tpu.memref_slice %arg14[%mul3A_38, %dma_start3A_45] : memref<10240x128xf32, #tpu.memory_space<vmem_shared>> -> memref<640x128xf32, #tpu.memory_space<vmem_shared>>
      tpu.enqueue_dma source(%dma_start3A_46 : memref<640x128xf32, #tpu.memory_space<vmem_shared>>) target(%dma_start3A_44 : memref<640x128xf32, #tpu.memory_space<hbm>>) target_semaphore(%run_scoped3A : memref<!tpu.dma_semaphore, #tpu.memory_space<semaphore_mem>>)
      %dma_wait3A = arith.constant 0 : i32
      %dma_wait3A_47 = tpu.memref_slice %arg5[%add3A_43, %dma_wait3A] : memref<20480x128xf32, #tpu.memory_space<hbm>> -> memref<640x128xf32, #tpu.memory_space<hbm>>
      %dma_wait3A_48 = arith.constant 0 : i32
      %dma_wait3A_49 = tpu.memref_slice %arg14[%mul3A_38, %dma_wait3A_48] : memref<10240x128xf32, #tpu.memory_space<vmem_shared>> -> memref<640x128xf32, #tpu.memory_space<vmem_shared>>
      tpu.wait_dma2 semaphore(%run_scoped3A : memref<!tpu.dma_semaphore, #tpu.memory_space<semaphore_mem>>) src(%dma_wait3A_49 : memref<640x128xf32, #tpu.memory_space<vmem_shared>>) dst(%dma_wait3A_47 : memref<640x128xf32, #tpu.memory_space<hbm>>)
      tpu.yield
    }) : () -> ()
    return
  }
}

#map = affine_map<(d0, d1) -> (0, 0)>
#map1 = affine_map<(d0, d1) -> (0, 0, 0)>
module attributes {stable_mosaic.version = 14 : i64} {
  func.func @_sc_scatter(%arg0: i32, %arg1: i32, %arg2: memref<10240x128xf32, #tpu.memory_space<hbm>>, %arg3: memref<64x40x128xi32, #tpu.memory_space<hbm>>, %arg4: memref<64x40x128xi32, #tpu.memory_space<hbm>>, %arg5: memref<20480x128xf32, #tpu.memory_space<hbm>>, %arg6: memref<40x128xi32, #tpu.memory_space<vmem>>, %arg7: memref<40x128xi32, #tpu.memory_space<vmem>>, %arg8: memref<128x128xf32, #tpu.memory_space<vmem>>, %arg9: memref<128x128xf32, #tpu.memory_space<vmem>>, %arg10: memref<!tpu.dma_semaphore, #tpu.memory_space<semaphore_mem>>, %arg11: memref<!tpu.dma_semaphore, #tpu.memory_space<semaphore_mem>>, %arg12: memref<!tpu.dma_semaphore, #tpu.memory_space<semaphore_mem>>, %arg13: memref<!tpu.dma_semaphore, #tpu.memory_space<semaphore_mem>>, %arg14: memref<10240x128xf32, #tpu.memory_space<vmem_shared>>) attributes {dimension_semantics = [#tpu.dimension_semantics<core_parallel>, #tpu.dimension_semantics<subcore_parallel>], iteration_bounds = array<i64: 2, 16>, scalar_prefetch = 0 : i64, scratch_operands = 9 : i64, tpu.core_type = #tpu.core_type<sc_vector_subcore>, window_params = [{transform_indices = #map}, {transform_indices = #map1}, {transform_indices = #map1}, {transform_indices = #map}]} {
    %mul3A = arith.constant 16 : i32
    %mul3A_0 = arith.muli %arg0, %mul3A : i32
    %add3A = arith.addi %mul3A_0, %arg1 : i32
    %scan3A = arith.constant 0 : i32
    %scan3A_1 = arith.constant 128 : i32
    %scan3A_2 = arith.addi %scan3A, %scan3A_1 : i32
    %scan3A_3 = arith.constant 1 : i32
    scf.for %scan3A_44 = %scan3A to %scan3A_2 step %scan3A_3  : i32 {
      %mul3A_45 = arith.constant 1 : i32
      %mul3A_46 = arith.muli %scan3A_44, %mul3A_45 : i32
      %add3A_47 = arith.constant 0 : i32
      %add3A_48 = arith.addi %add3A_47, %mul3A_46 : i32
      %scan3A_49 = arith.constant 0 : i32
      %scan3A_50 = arith.constant 8 : i32
      %scan3A_51 = arith.addi %scan3A_49, %scan3A_50 : i32
      %scan3A_52 = arith.constant 1 : i32
      scf.for %scan3A_54 = %scan3A_49 to %scan3A_51 step %scan3A_52  : i32 {
        %mul3A_55 = arith.constant 16 : i32
        %mul3A_56 = arith.muli %scan3A_54, %mul3A_55 : i32
        %add3A_57 = arith.constant 0 : i32
        %add3A_58 = arith.addi %add3A_57, %mul3A_56 : i32
        %broadcast_in_dim3A = arith.constant 0.000000e+00 : f32
        %broadcast_in_dim3A_59 = vector.broadcast %broadcast_in_dim3A : f32 to vector<16xf32>
        %swap3A = arith.index_cast %add3A_48 : i32 to index
        %swap3A_60 = arith.index_cast %add3A_58 : i32 to index
        %swap3A_61 = tpu.vector_load %arg8[%swap3A, %swap3A_60] {strides = array<i32>} : memref<128x128xf32, #tpu.memory_space<vmem>>, vector<1x16xf32>,
        %swap3A_62 = vector.shape_cast %swap3A_61 : vector<1x16xf32> to vector<16xf32>
        %swap3A_63 = vector.shape_cast %broadcast_in_dim3A_59 : vector<16xf32> to vector<1x16xf32>
        tpu.vector_store %arg8[%swap3A, %swap3A_60], %swap3A_63 {strides = array<i32>} : memref<128x128xf32, #tpu.memory_space<vmem>>, vector<1x16xf32>,
      }
      %scan3A_53 = arith.constant 8 : i32
    }
    %scan3A_4 = arith.constant 128 : i32
    %scan3A_5 = arith.constant 0 : i32
    %scan3A_6 = arith.constant 5 : i32
    %scan3A_7 = arith.addi %scan3A_5, %scan3A_6 : i32
    %scan3A_8 = arith.constant 1 : i32
    scf.for %scan3A_44 = %scan3A_5 to %scan3A_7 step %scan3A_8  : i32 {
      %mul3A_45 = arith.constant 128 : i32
      %mul3A_46 = arith.muli %scan3A_44, %mul3A_45 : i32
      %add3A_47 = arith.constant 0 : i32
      %add3A_48 = arith.addi %add3A_47, %mul3A_46 : i32
      %mul3A_49 = arith.constant 640 : i32
      %mul3A_50 = arith.muli %arg1, %mul3A_49 : i32
      %add3A_51 = arith.addi %mul3A_50, %add3A_48 : i32
      "tpu.region"() ({
        %run_scoped3A = tpu.sem_alloc : memref<!tpu.dma_semaphore, #tpu.memory_space<semaphore_mem>>
        %dma_start3A = arith.constant 0 : i32
        %dma_start3A_52 = tpu.memref_slice %arg14[%add3A_51, %dma_start3A] : memref<10240x128xf32, #tpu.memory_space<vmem_shared>> -> memref<128x128xf32, #tpu.memory_space<vmem_shared>>
        %dma_start3A_53 = arith.constant 0 : i32
        %dma_start3A_54 = tpu.memref_slice %arg14[%add3A_51, %dma_start3A_53] : memref<10240x128xf32, #tpu.memory_space<vmem_shared>> -> memref<128x128xf32, #tpu.memory_space<vmem_shared>>
        tpu.enqueue_dma source(%arg8 : memref<128x128xf32, #tpu.memory_space<vmem>>) target(%dma_start3A_54 : memref<128x128xf32, #tpu.memory_space<vmem_shared>>) target_semaphore(%run_scoped3A : memref<!tpu.dma_semaphore, #tpu.memory_space<semaphore_mem>>)
        %dma_wait3A = arith.constant 0 : i32
        %dma_wait3A_55 = tpu.memref_slice %arg14[%add3A_51, %dma_wait3A] : memref<10240x128xf32, #tpu.memory_space<vmem_shared>> -> memref<128x128xf32, #tpu.memory_space<vmem_shared>>
        %dma_wait3A_56 = arith.constant 0 : i32
        %dma_wait3A_57 = tpu.memref_slice %arg14[%add3A_51, %dma_wait3A_56] : memref<10240x128xf32, #tpu.memory_space<vmem_shared>> -> memref<128x128xf32, #tpu.memory_space<vmem_shared>>
        tpu.wait_dma2 semaphore(%run_scoped3A : memref<!tpu.dma_semaphore, #tpu.memory_space<semaphore_mem>>) src(%arg8 : memref<128x128xf32, #tpu.memory_space<vmem>>) dst(%dma_wait3A_57 : memref<128x128xf32, #tpu.memory_space<vmem_shared>>)
        tpu.yield
      }) : () -> ()
    }
    %scan3A_9 = arith.constant 5 : i32
    %barrier3A = arith.constant 0 : index
    tpu.barrier barrier_id(%barrier3A)
    %mul3A_10 = arith.constant 2 : i32
    %mul3A_11 = arith.muli %add3A, %mul3A_10 : i32
    %add3A_12 = arith.constant 0 : i32
    %add3A_13 = arith.addi %mul3A_11, %add3A_12 : i32
    "tpu.region"() ({
      %run_scoped3A = tpu.sem_alloc : memref<!tpu.dma_semaphore, #tpu.memory_space<semaphore_mem>>
      %dma_start3A = arith.constant 0 : i32
      %dma_start3A_44 = arith.constant 0 : i32
      %dma_start3A_45 = tpu.memref_slice %arg3[%add3A_13, %dma_start3A, %dma_start3A_44] : memref<64x40x128xi32, #tpu.memory_space<hbm>> -> memref<1x40x128xi32, #tpu.memory_space<hbm>>
      %dma_start3A_46 = tpu.memref_squeeze %dma_start3A_45 : memref<1x40x128xi32, #tpu.memory_space<hbm>> -> memref<40x128xi32, #tpu.memory_space<hbm>>
      %dma_start3A_47 = arith.constant 0 : i32
      %dma_start3A_48 = arith.constant 0 : i32
      %dma_start3A_49 = tpu.memref_slice %arg3[%add3A_13, %dma_start3A_47, %dma_start3A_48] : memref<64x40x128xi32, #tpu.memory_space<hbm>> -> memref<1x40x128xi32, #tpu.memory_space<hbm>>
      %dma_start3A_50 = tpu.memref_squeeze %dma_start3A_49 : memref<1x40x128xi32, #tpu.memory_space<hbm>> -> memref<40x128xi32, #tpu.memory_space<hbm>>
      tpu.enqueue_dma source(%dma_start3A_50 : memref<40x128xi32, #tpu.memory_space<hbm>>) target(%arg6 : memref<40x128xi32, #tpu.memory_space<vmem>>) target_semaphore(%run_scoped3A : memref<!tpu.dma_semaphore, #tpu.memory_space<semaphore_mem>>)
      %dma_wait3A = arith.constant 0 : i32
      %dma_wait3A_51 = arith.constant 0 : i32
      %dma_wait3A_52 = tpu.memref_slice %arg3[%add3A_13, %dma_wait3A, %dma_wait3A_51] : memref<64x40x128xi32, #tpu.memory_space<hbm>> -> memref<1x40x128xi32, #tpu.memory_space<hbm>>
      %dma_wait3A_53 = tpu.memref_squeeze %dma_wait3A_52 : memref<1x40x128xi32, #tpu.memory_space<hbm>> -> memref<40x128xi32, #tpu.memory_space<hbm>>
      %dma_wait3A_54 = arith.constant 0 : i32
      %dma_wait3A_55 = arith.constant 0 : i32
      %dma_wait3A_56 = tpu.memref_slice %arg3[%add3A_13, %dma_wait3A_54, %dma_wait3A_55] : memref<64x40x128xi32, #tpu.memory_space<hbm>> -> memref<1x40x128xi32, #tpu.memory_space<hbm>>
      %dma_wait3A_57 = tpu.memref_squeeze %dma_wait3A_56 : memref<1x40x128xi32, #tpu.memory_space<hbm>> -> memref<40x128xi32, #tpu.memory_space<hbm>>
      tpu.wait_dma2 semaphore(%run_scoped3A : memref<!tpu.dma_semaphore, #tpu.memory_space<semaphore_mem>>) src(%dma_wait3A_57 : memref<40x128xi32, #tpu.memory_space<hbm>>) dst(%arg6 : memref<40x128xi32, #tpu.memory_space<vmem>>)
      tpu.yield
    }) : () -> ()
    %mul3A_14 = arith.constant 2 : i32
    %mul3A_15 = arith.muli %add3A, %mul3A_14 : i32
    %add3A_16 = arith.constant 0 : i32
    %add3A_17 = arith.addi %mul3A_15, %add3A_16 : i32
    "tpu.region"() ({
      %run_scoped3A = tpu.sem_alloc : memref<!tpu.dma_semaphore, #tpu.memory_space<semaphore_mem>>
      %dma_start3A = arith.constant 0 : i32
      %dma_start3A_44 = arith.constant 0 : i32
      %dma_start3A_45 = tpu.memref_slice %arg4[%add3A_17, %dma_start3A, %dma_start3A_44] : memref<64x40x128xi32, #tpu.memory_space<hbm>> -> memref<1x40x128xi32, #tpu.memory_space<hbm>>
      %dma_start3A_46 = tpu.memref_squeeze %dma_start3A_45 : memref<1x40x128xi32, #tpu.memory_space<hbm>> -> memref<40x128xi32, #tpu.memory_space<hbm>>
      %dma_start3A_47 = arith.constant 0 : i32
      %dma_start3A_48 = arith.constant 0 : i32
      %dma_start3A_49 = tpu.memref_slice %arg4[%add3A_17, %dma_start3A_47, %dma_start3A_48] : memref<64x40x128xi32, #tpu.memory_space<hbm>> -> memref<1x40x128xi32, #tpu.memory_space<hbm>>
      %dma_start3A_50 = tpu.memref_squeeze %dma_start3A_49 : memref<1x40x128xi32, #tpu.memory_space<hbm>> -> memref<40x128xi32, #tpu.memory_space<hbm>>
      tpu.enqueue_dma source(%dma_start3A_50 : memref<40x128xi32, #tpu.memory_space<hbm>>) target(%arg7 : memref<40x128xi32, #tpu.memory_space<vmem>>) target_semaphore(%run_scoped3A : memref<!tpu.dma_semaphore, #tpu.memory_space<semaphore_mem>>)
      %dma_wait3A = arith.constant 0 : i32
      %dma_wait3A_51 = arith.constant 0 : i32
      %dma_wait3A_52 = tpu.memref_slice %arg4[%add3A_17, %dma_wait3A, %dma_wait3A_51] : memref<64x40x128xi32, #tpu.memory_space<hbm>> -> memref<1x40x128xi32, #tpu.memory_space<hbm>>
      %dma_wait3A_53 = tpu.memref_squeeze %dma_wait3A_52 : memref<1x40x128xi32, #tpu.memory_space<hbm>> -> memref<40x128xi32, #tpu.memory_space<hbm>>
      %dma_wait3A_54 = arith.constant 0 : i32
      %dma_wait3A_55 = arith.constant 0 : i32
      %dma_wait3A_56 = tpu.memref_slice %arg4[%add3A_17, %dma_wait3A_54, %dma_wait3A_55] : memref<64x40x128xi32, #tpu.memory_space<hbm>> -> memref<1x40x128xi32, #tpu.memory_space<hbm>>
      %dma_wait3A_57 = tpu.memref_squeeze %dma_wait3A_56 : memref<1x40x128xi32, #tpu.memory_space<hbm>> -> memref<40x128xi32, #tpu.memory_space<hbm>>
      tpu.wait_dma2 semaphore(%run_scoped3A : memref<!tpu.dma_semaphore, #tpu.memory_space<semaphore_mem>>) src(%dma_wait3A_57 : memref<40x128xi32, #tpu.memory_space<hbm>>) dst(%arg7 : memref<40x128xi32, #tpu.memory_space<vmem>>)
      tpu.yield
    }) : () -> ()
    %scan3A_18 = arith.constant 0 : i32
    %scan3A_19 = arith.constant 20 : i32
    %scan3A_20 = arith.addi %scan3A_18, %scan3A_19 : i32
    %scan3A_21 = arith.constant 1 : i32
    scf.for %scan3A_44 = %scan3A_18 to %scan3A_20 step %scan3A_21  : i32 {
      %mul3A_45 = arith.constant 2 : i32
      %mul3A_46 = arith.muli %scan3A_44, %mul3A_45 : i32
      %add3A_47 = arith.constant 0 : i32
      %add3A_48 = arith.addi %add3A_47, %mul3A_46 : i32
      %dma_start3A = arith.constant 0 : i32
      %dma_start3A_49 = tpu.memref_slice %arg6[%add3A_48, %dma_start3A] : memref<40x128xi32, #tpu.memory_space<vmem>> -> memref<1x128xi32, #tpu.memory_space<vmem>>
      %dma_start3A_50 = tpu.memref_squeeze %dma_start3A_49 : memref<1x128xi32, #tpu.memory_space<vmem>> -> memref<128xi32, #tpu.memory_space<vmem>>
      %dma_start3A_51 = arith.constant 0 : i32
      %dma_start3A_52 = arith.constant 0 : i32
      %dma_start3A_53 = tpu.memref_slice %arg2[%dma_start3A_51, %dma_start3A_52] : memref<10240x128xf32, #tpu.memory_space<hbm>> -> memref<10240x128xf32, #tpu.memory_space<hbm>>
      tpu.enqueue_indirect_dma source(%dma_start3A_53 : memref<10240x128xf32, #tpu.memory_space<hbm>>) target(%arg8 : memref<128x128xf32, #tpu.memory_space<vmem>>) offsets(%dma_start3A_50 : memref<128xi32, #tpu.memory_space<vmem>>) semaphore(%arg10 : memref<!tpu.dma_semaphore, #tpu.memory_space<semaphore_mem>>)
      %add3A_54 = arith.constant 1 : i32
      %add3A_55 = arith.addi %add3A_48, %add3A_54 : i32
      %dma_start3A_56 = arith.constant 0 : i32
      %dma_start3A_57 = tpu.memref_slice %arg6[%add3A_55, %dma_start3A_56] : memref<40x128xi32, #tpu.memory_space<vmem>> -> memref<1x128xi32, #tpu.memory_space<vmem>>
      %dma_start3A_58 = tpu.memref_squeeze %dma_start3A_57 : memref<1x128xi32, #tpu.memory_space<vmem>> -> memref<128xi32, #tpu.memory_space<vmem>>
      %dma_start3A_59 = arith.constant 0 : i32
      %dma_start3A_60 = arith.constant 0 : i32
      %dma_start3A_61 = tpu.memref_slice %arg2[%dma_start3A_59, %dma_start3A_60] : memref<10240x128xf32, #tpu.memory_space<hbm>> -> memref<10240x128xf32, #tpu.memory_space<hbm>>
      tpu.enqueue_indirect_dma source(%dma_start3A_61 : memref<10240x128xf32, #tpu.memory_space<hbm>>) target(%arg9 : memref<128x128xf32, #tpu.memory_space<vmem>>) offsets(%dma_start3A_58 : memref<128xi32, #tpu.memory_space<vmem>>) semaphore(%arg12 : memref<!tpu.dma_semaphore, #tpu.memory_space<semaphore_mem>>)
      %dma_wait3A = arith.constant 0 : i32
      %dma_wait3A_62 = tpu.memref_slice %arg6[%add3A_48, %dma_wait3A] : memref<40x128xi32, #tpu.memory_space<vmem>> -> memref<1x128xi32, #tpu.memory_space<vmem>>
      %dma_wait3A_63 = tpu.memref_squeeze %dma_wait3A_62 : memref<1x128xi32, #tpu.memory_space<vmem>> -> memref<128xi32, #tpu.memory_space<vmem>>
      %dma_wait3A_64 = arith.constant 0 : i32
      %dma_wait3A_65 = arith.constant 0 : i32
      %dma_wait3A_66 = tpu.memref_slice %arg2[%dma_wait3A_64, %dma_wait3A_65] : memref<10240x128xf32, #tpu.memory_space<hbm>> -> memref<10240x128xf32, #tpu.memory_space<hbm>>
      tpu.wait_indirect_dma semaphore(%arg10 : memref<!tpu.dma_semaphore, #tpu.memory_space<semaphore_mem>>) src(%dma_wait3A_66 : memref<10240x128xf32, #tpu.memory_space<hbm>>) dst(%arg8 : memref<128x128xf32, #tpu.memory_space<vmem>>)
      %dma_start3A_67 = arith.constant 0 : i32
      %dma_start3A_68 = tpu.memref_slice %arg7[%add3A_48, %dma_start3A_67] : memref<40x128xi32, #tpu.memory_space<vmem>> -> memref<1x128xi32, #tpu.memory_space<vmem>>
      %dma_start3A_69 = tpu.memref_squeeze %dma_start3A_68 : memref<1x128xi32, #tpu.memory_space<vmem>> -> memref<128xi32, #tpu.memory_space<vmem>>
      %dma_start3A_70 = arith.constant 0 : i32
      %dma_start3A_71 = arith.constant 0 : i32
      %dma_start3A_72 = tpu.memref_slice %arg14[%dma_start3A_70, %dma_start3A_71] : memref<10240x128xf32, #tpu.memory_space<vmem_shared>> -> memref<10240x128xf32, #tpu.memory_space<vmem_shared>>
      tpu.enqueue_indirect_dma source(%arg8 : memref<128x128xf32, #tpu.memory_space<vmem>>) target(%dma_start3A_72 : memref<10240x128xf32, #tpu.memory_space<vmem_shared>>) offsets(%dma_start3A_69 : memref<128xi32, #tpu.memory_space<vmem>>) semaphore(%arg11 : memref<!tpu.dma_semaphore, #tpu.memory_space<semaphore_mem>>) {add = true}
      %dma_wait3A_73 = arith.constant 0 : i32
      %dma_wait3A_74 = tpu.memref_slice %arg6[%add3A_55, %dma_wait3A_73] : memref<40x128xi32, #tpu.memory_space<vmem>> -> memref<1x128xi32, #tpu.memory_space<vmem>>
      %dma_wait3A_75 = tpu.memref_squeeze %dma_wait3A_74 : memref<1x128xi32, #tpu.memory_space<vmem>> -> memref<128xi32, #tpu.memory_space<vmem>>
      %dma_wait3A_76 = arith.constant 0 : i32
      %dma_wait3A_77 = arith.constant 0 : i32
      %dma_wait3A_78 = tpu.memref_slice %arg2[%dma_wait3A_76, %dma_wait3A_77] : memref<10240x128xf32, #tpu.memory_space<hbm>> -> memref<10240x128xf32, #tpu.memory_space<hbm>>
      tpu.wait_indirect_dma semaphore(%arg12 : memref<!tpu.dma_semaphore, #tpu.memory_space<semaphore_mem>>) src(%dma_wait3A_78 : memref<10240x128xf32, #tpu.memory_space<hbm>>) dst(%arg9 : memref<128x128xf32, #tpu.memory_space<vmem>>)
      %add3A_79 = arith.constant 1 : i32
      %add3A_80 = arith.addi %add3A_48, %add3A_79 : i32
      %dma_start3A_81 = arith.constant 0 : i32
      %dma_start3A_82 = tpu.memref_slice %arg7[%add3A_80, %dma_start3A_81] : memref<40x128xi32, #tpu.memory_space<vmem>> -> memref<1x128xi32, #tpu.memory_space<vmem>>
      %dma_start3A_83 = tpu.memref_squeeze %dma_start3A_82 : memref<1x128xi32, #tpu.memory_space<vmem>> -> memref<128xi32, #tpu.memory_space<vmem>>
      %dma_start3A_84 = arith.constant 0 : i32
      %dma_start3A_85 = arith.constant 0 : i32
      %dma_start3A_86 = tpu.memref_slice %arg14[%dma_start3A_84, %dma_start3A_85] : memref<10240x128xf32, #tpu.memory_space<vmem_shared>> -> memref<10240x128xf32, #tpu.memory_space<vmem_shared>>
      tpu.enqueue_indirect_dma source(%arg9 : memref<128x128xf32, #tpu.memory_space<vmem>>) target(%dma_start3A_86 : memref<10240x128xf32, #tpu.memory_space<vmem_shared>>) offsets(%dma_start3A_83 : memref<128xi32, #tpu.memory_space<vmem>>) semaphore(%arg13 : memref<!tpu.dma_semaphore, #tpu.memory_space<semaphore_mem>>) {add = true}
      %dma_wait3A_87 = arith.constant 0 : i32
      %dma_wait3A_88 = tpu.memref_slice %arg7[%add3A_48, %dma_wait3A_87] : memref<40x128xi32, #tpu.memory_space<vmem>> -> memref<1x128xi32, #tpu.memory_space<vmem>>
      %dma_wait3A_89 = tpu.memref_squeeze %dma_wait3A_88 : memref<1x128xi32, #tpu.memory_space<vmem>> -> memref<128xi32, #tpu.memory_space<vmem>>
      %dma_wait3A_90 = arith.constant 0 : i32
      %dma_wait3A_91 = arith.constant 0 : i32
      %dma_wait3A_92 = tpu.memref_slice %arg14[%dma_wait3A_90, %dma_wait3A_91] : memref<10240x128xf32, #tpu.memory_space<vmem_shared>> -> memref<10240x128xf32, #tpu.memory_space<vmem_shared>>
      tpu.wait_indirect_dma semaphore(%arg11 : memref<!tpu.dma_semaphore, #tpu.memory_space<semaphore_mem>>) src(%arg8 : memref<128x128xf32, #tpu.memory_space<vmem>>) dst(%dma_wait3A_92 : memref<10240x128xf32, #tpu.memory_space<vmem_shared>>)
      %dma_wait3A_93 = arith.constant 0 : i32
      %dma_wait3A_94 = tpu.memref_slice %arg7[%add3A_80, %dma_wait3A_93] : memref<40x128xi32, #tpu.memory_space<vmem>> -> memref<1x128xi32, #tpu.memory_space<vmem>>
      %dma_wait3A_95 = tpu.memref_squeeze %dma_wait3A_94 : memref<1x128xi32, #tpu.memory_space<vmem>> -> memref<128xi32, #tpu.memory_space<vmem>>
      %dma_wait3A_96 = arith.constant 0 : i32
      %dma_wait3A_97 = arith.constant 0 : i32
      %dma_wait3A_98 = tpu.memref_slice %arg14[%dma_wait3A_96, %dma_wait3A_97] : memref<10240x128xf32, #tpu.memory_space<vmem_shared>> -> memref<10240x128xf32, #tpu.memory_space<vmem_shared>>
      tpu.wait_indirect_dma semaphore(%arg13 : memref<!tpu.dma_semaphore, #tpu.memory_space<semaphore_mem>>) src(%arg9 : memref<128x128xf32, #tpu.memory_space<vmem>>) dst(%dma_wait3A_98 : memref<10240x128xf32, #tpu.memory_space<vmem_shared>>)
    }
    %scan3A_22 = arith.constant 20 : i32
    %mul3A_23 = arith.constant 2 : i32
    %mul3A_24 = arith.muli %add3A, %mul3A_23 : i32
    %add3A_25 = arith.constant 1 : i32
    %add3A_26 = arith.addi %mul3A_24, %add3A_25 : i32
    "tpu.region"() ({
      %run_scoped3A = tpu.sem_alloc : memref<!tpu.dma_semaphore, #tpu.memory_space<semaphore_mem>>
      %dma_start3A = arith.constant 0 : i32
      %dma_start3A_44 = arith.constant 0 : i32
      %dma_start3A_45 = tpu.memref_slice %arg3[%add3A_26, %dma_start3A, %dma_start3A_44] : memref<64x40x128xi32, #tpu.memory_space<hbm>> -> memref<1x40x128xi32, #tpu.memory_space<hbm>>
      %dma_start3A_46 = tpu.memref_squeeze %dma_start3A_45 : memref<1x40x128xi32, #tpu.memory_space<hbm>> -> memref<40x128xi32, #tpu.memory_space<hbm>>
      %dma_start3A_47 = arith.constant 0 : i32
      %dma_start3A_48 = arith.constant 0 : i32
      %dma_start3A_49 = tpu.memref_slice %arg3[%add3A_26, %dma_start3A_47, %dma_start3A_48] : memref<64x40x128xi32, #tpu.memory_space<hbm>> -> memref<1x40x128xi32, #tpu.memory_space<hbm>>
      %dma_start3A_50 = tpu.memref_squeeze %dma_start3A_49 : memref<1x40x128xi32, #tpu.memory_space<hbm>> -> memref<40x128xi32, #tpu.memory_space<hbm>>
      tpu.enqueue_dma source(%dma_start3A_50 : memref<40x128xi32, #tpu.memory_space<hbm>>) target(%arg6 : memref<40x128xi32, #tpu.memory_space<vmem>>) target_semaphore(%run_scoped3A : memref<!tpu.dma_semaphore, #tpu.memory_space<semaphore_mem>>)
      %dma_wait3A = arith.constant 0 : i32
      %dma_wait3A_51 = arith.constant 0 : i32
      %dma_wait3A_52 = tpu.memref_slice %arg3[%add3A_26, %dma_wait3A, %dma_wait3A_51] : memref<64x40x128xi32, #tpu.memory_space<hbm>> -> memref<1x40x128xi32, #tpu.memory_space<hbm>>
      %dma_wait3A_53 = tpu.memref_squeeze %dma_wait3A_52 : memref<1x40x128xi32, #tpu.memory_space<hbm>> -> memref<40x128xi32, #tpu.memory_space<hbm>>
      %dma_wait3A_54 = arith.constant 0 : i32
      %dma_wait3A_55 = arith.constant 0 : i32
      %dma_wait3A_56 = tpu.memref_slice %arg3[%add3A_26, %dma_wait3A_54, %dma_wait3A_55] : memref<64x40x128xi32, #tpu.memory_space<hbm>> -> memref<1x40x128xi32, #tpu.memory_space<hbm>>
      %dma_wait3A_57 = tpu.memref_squeeze %dma_wait3A_56 : memref<1x40x128xi32, #tpu.memory_space<hbm>> -> memref<40x128xi32, #tpu.memory_space<hbm>>
      tpu.wait_dma2 semaphore(%run_scoped3A : memref<!tpu.dma_semaphore, #tpu.memory_space<semaphore_mem>>) src(%dma_wait3A_57 : memref<40x128xi32, #tpu.memory_space<hbm>>) dst(%arg6 : memref<40x128xi32, #tpu.memory_space<vmem>>)
      tpu.yield
    }) : () -> ()
    %mul3A_27 = arith.constant 2 : i32
    %mul3A_28 = arith.muli %add3A, %mul3A_27 : i32
    %add3A_29 = arith.constant 1 : i32
    %add3A_30 = arith.addi %mul3A_28, %add3A_29 : i32
    "tpu.region"() ({
      %run_scoped3A = tpu.sem_alloc : memref<!tpu.dma_semaphore, #tpu.memory_space<semaphore_mem>>
      %dma_start3A = arith.constant 0 : i32
      %dma_start3A_44 = arith.constant 0 : i32
      %dma_start3A_45 = tpu.memref_slice %arg4[%add3A_30, %dma_start3A, %dma_start3A_44] : memref<64x40x128xi32, #tpu.memory_space<hbm>> -> memref<1x40x128xi32, #tpu.memory_space<hbm>>
      %dma_start3A_46 = tpu.memref_squeeze %dma_start3A_45 : memref<1x40x128xi32, #tpu.memory_space<hbm>> -> memref<40x128xi32, #tpu.memory_space<hbm>>
      %dma_start3A_47 = arith.constant 0 : i32
      %dma_start3A_48 = arith.constant 0 : i32
      %dma_start3A_49 = tpu.memref_slice %arg4[%add3A_30, %dma_start3A_47, %dma_start3A_48] : memref<64x40x128xi32, #tpu.memory_space<hbm>> -> memref<1x40x128xi32, #tpu.memory_space<hbm>>
      %dma_start3A_50 = tpu.memref_squeeze %dma_start3A_49 : memref<1x40x128xi32, #tpu.memory_space<hbm>> -> memref<40x128xi32, #tpu.memory_space<hbm>>
      tpu.enqueue_dma source(%dma_start3A_50 : memref<40x128xi32, #tpu.memory_space<hbm>>) target(%arg7 : memref<40x128xi32, #tpu.memory_space<vmem>>) target_semaphore(%run_scoped3A : memref<!tpu.dma_semaphore, #tpu.memory_space<semaphore_mem>>)
      %dma_wait3A = arith.constant 0 : i32
      %dma_wait3A_51 = arith.constant 0 : i32
      %dma_wait3A_52 = tpu.memref_slice %arg4[%add3A_30, %dma_wait3A, %dma_wait3A_51] : memref<64x40x128xi32, #tpu.memory_space<hbm>> -> memref<1x40x128xi32, #tpu.memory_space<hbm>>
      %dma_wait3A_53 = tpu.memref_squeeze %dma_wait3A_52 : memref<1x40x128xi32, #tpu.memory_space<hbm>> -> memref<40x128xi32, #tpu.memory_space<hbm>>
      %dma_wait3A_54 = arith.constant 0 : i32
      %dma_wait3A_55 = arith.constant 0 : i32
      %dma_wait3A_56 = tpu.memref_slice %arg4[%add3A_30, %dma_wait3A_54, %dma_wait3A_55] : memref<64x40x128xi32, #tpu.memory_space<hbm>> -> memref<1x40x128xi32, #tpu.memory_space<hbm>>
      %dma_wait3A_57 = tpu.memref_squeeze %dma_wait3A_56 : memref<1x40x128xi32, #tpu.memory_space<hbm>> -> memref<40x128xi32, #tpu.memory_space<hbm>>
      tpu.wait_dma2 semaphore(%run_scoped3A : memref<!tpu.dma_semaphore, #tpu.memory_space<semaphore_mem>>) src(%dma_wait3A_57 : memref<40x128xi32, #tpu.memory_space<hbm>>) dst(%arg7 : memref<40x128xi32, #tpu.memory_space<vmem>>)
      tpu.yield
    }) : () -> ()
    %scan3A_31 = arith.constant 0 : i32
    %scan3A_32 = arith.constant 20 : i32
    %scan3A_33 = arith.addi %scan3A_31, %scan3A_32 : i32
    %scan3A_34 = arith.constant 1 : i32
    scf.for %scan3A_44 = %scan3A_31 to %scan3A_33 step %scan3A_34  : i32 {
      %mul3A_45 = arith.constant 2 : i32
      %mul3A_46 = arith.muli %scan3A_44, %mul3A_45 : i32
      %add3A_47 = arith.constant 0 : i32
      %add3A_48 = arith.addi %add3A_47, %mul3A_46 : i32
      %dma_start3A = arith.constant 0 : i32
      %dma_start3A_49 = tpu.memref_slice %arg6[%add3A_48, %dma_start3A] : memref<40x128xi32, #tpu.memory_space<vmem>> -> memref<1x128xi32, #tpu.memory_space<vmem>>
      %dma_start3A_50 = tpu.memref_squeeze %dma_start3A_49 : memref<1x128xi32, #tpu.memory_space<vmem>> -> memref<128xi32, #tpu.memory_space<vmem>>
      %dma_start3A_51 = arith.constant 0 : i32
      %dma_start3A_52 = arith.constant 0 : i32
      %dma_start3A_53 = tpu.memref_slice %arg2[%dma_start3A_51, %dma_start3A_52] : memref<10240x128xf32, #tpu.memory_space<hbm>> -> memref<10240x128xf32, #tpu.memory_space<hbm>>
      tpu.enqueue_indirect_dma source(%dma_start3A_53 : memref<10240x128xf32, #tpu.memory_space<hbm>>) target(%arg8 : memref<128x128xf32, #tpu.memory_space<vmem>>) offsets(%dma_start3A_50 : memref<128xi32, #tpu.memory_space<vmem>>) semaphore(%arg10 : memref<!tpu.dma_semaphore, #tpu.memory_space<semaphore_mem>>)
      %add3A_54 = arith.constant 1 : i32
      %add3A_55 = arith.addi %add3A_48, %add3A_54 : i32
      %dma_start3A_56 = arith.constant 0 : i32
      %dma_start3A_57 = tpu.memref_slice %arg6[%add3A_55, %dma_start3A_56] : memref<40x128xi32, #tpu.memory_space<vmem>> -> memref<1x128xi32, #tpu.memory_space<vmem>>
      %dma_start3A_58 = tpu.memref_squeeze %dma_start3A_57 : memref<1x128xi32, #tpu.memory_space<vmem>> -> memref<128xi32, #tpu.memory_space<vmem>>
      %dma_start3A_59 = arith.constant 0 : i32
      %dma_start3A_60 = arith.constant 0 : i32
      %dma_start3A_61 = tpu.memref_slice %arg2[%dma_start3A_59, %dma_start3A_60] : memref<10240x128xf32, #tpu.memory_space<hbm>> -> memref<10240x128xf32, #tpu.memory_space<hbm>>
      tpu.enqueue_indirect_dma source(%dma_start3A_61 : memref<10240x128xf32, #tpu.memory_space<hbm>>) target(%arg9 : memref<128x128xf32, #tpu.memory_space<vmem>>) offsets(%dma_start3A_58 : memref<128xi32, #tpu.memory_space<vmem>>) semaphore(%arg12 : memref<!tpu.dma_semaphore, #tpu.memory_space<semaphore_mem>>)
      %dma_wait3A = arith.constant 0 : i32
      %dma_wait3A_62 = tpu.memref_slice %arg6[%add3A_48, %dma_wait3A] : memref<40x128xi32, #tpu.memory_space<vmem>> -> memref<1x128xi32, #tpu.memory_space<vmem>>
      %dma_wait3A_63 = tpu.memref_squeeze %dma_wait3A_62 : memref<1x128xi32, #tpu.memory_space<vmem>> -> memref<128xi32, #tpu.memory_space<vmem>>
      %dma_wait3A_64 = arith.constant 0 : i32
      %dma_wait3A_65 = arith.constant 0 : i32
      %dma_wait3A_66 = tpu.memref_slice %arg2[%dma_wait3A_64, %dma_wait3A_65] : memref<10240x128xf32, #tpu.memory_space<hbm>> -> memref<10240x128xf32, #tpu.memory_space<hbm>>
      tpu.wait_indirect_dma semaphore(%arg10 : memref<!tpu.dma_semaphore, #tpu.memory_space<semaphore_mem>>) src(%dma_wait3A_66 : memref<10240x128xf32, #tpu.memory_space<hbm>>) dst(%arg8 : memref<128x128xf32, #tpu.memory_space<vmem>>)
      %dma_start3A_67 = arith.constant 0 : i32
      %dma_start3A_68 = tpu.memref_slice %arg7[%add3A_48, %dma_start3A_67] : memref<40x128xi32, #tpu.memory_space<vmem>> -> memref<1x128xi32, #tpu.memory_space<vmem>>
      %dma_start3A_69 = tpu.memref_squeeze %dma_start3A_68 : memref<1x128xi32, #tpu.memory_space<vmem>> -> memref<128xi32, #tpu.memory_space<vmem>>
      %dma_start3A_70 = arith.constant 0 : i32
      %dma_start3A_71 = arith.constant 0 : i32
      %dma_start3A_72 = tpu.memref_slice %arg14[%dma_start3A_70, %dma_start3A_71] : memref<10240x128xf32, #tpu.memory_space<vmem_shared>> -> memref<10240x128xf32, #tpu.memory_space<vmem_shared>>
      tpu.enqueue_indirect_dma source(%arg8 : memref<128x128xf32, #tpu.memory_space<vmem>>) target(%dma_start3A_72 : memref<10240x128xf32, #tpu.memory_space<vmem_shared>>) offsets(%dma_start3A_69 : memref<128xi32, #tpu.memory_space<vmem>>) semaphore(%arg11 : memref<!tpu.dma_semaphore, #tpu.memory_space<semaphore_mem>>) {add = true}
      %dma_wait3A_73 = arith.constant 0 : i32
      %dma_wait3A_74 = tpu.memref_slice %arg6[%add3A_55, %dma_wait3A_73] : memref<40x128xi32, #tpu.memory_space<vmem>> -> memref<1x128xi32, #tpu.memory_space<vmem>>
      %dma_wait3A_75 = tpu.memref_squeeze %dma_wait3A_74 : memref<1x128xi32, #tpu.memory_space<vmem>> -> memref<128xi32, #tpu.memory_space<vmem>>
      %dma_wait3A_76 = arith.constant 0 : i32
      %dma_wait3A_77 = arith.constant 0 : i32
      %dma_wait3A_78 = tpu.memref_slice %arg2[%dma_wait3A_76, %dma_wait3A_77] : memref<10240x128xf32, #tpu.memory_space<hbm>> -> memref<10240x128xf32, #tpu.memory_space<hbm>>
      tpu.wait_indirect_dma semaphore(%arg12 : memref<!tpu.dma_semaphore, #tpu.memory_space<semaphore_mem>>) src(%dma_wait3A_78 : memref<10240x128xf32, #tpu.memory_space<hbm>>) dst(%arg9 : memref<128x128xf32, #tpu.memory_space<vmem>>)
      %add3A_79 = arith.constant 1 : i32
      %add3A_80 = arith.addi %add3A_48, %add3A_79 : i32
      %dma_start3A_81 = arith.constant 0 : i32
      %dma_start3A_82 = tpu.memref_slice %arg7[%add3A_80, %dma_start3A_81] : memref<40x128xi32, #tpu.memory_space<vmem>> -> memref<1x128xi32, #tpu.memory_space<vmem>>
      %dma_start3A_83 = tpu.memref_squeeze %dma_start3A_82 : memref<1x128xi32, #tpu.memory_space<vmem>> -> memref<128xi32, #tpu.memory_space<vmem>>
      %dma_start3A_84 = arith.constant 0 : i32
      %dma_start3A_85 = arith.constant 0 : i32
      %dma_start3A_86 = tpu.memref_slice %arg14[%dma_start3A_84, %dma_start3A_85] : memref<10240x128xf32, #tpu.memory_space<vmem_shared>> -> memref<10240x128xf32, #tpu.memory_space<vmem_shared>>
      tpu.enqueue_indirect_dma source(%arg9 : memref<128x128xf32, #tpu.memory_space<vmem>>) target(%dma_start3A_86 : memref<10240x128xf32, #tpu.memory_space<vmem_shared>>) offsets(%dma_start3A_83 : memref<128xi32, #tpu.memory_space<vmem>>) semaphore(%arg13 : memref<!tpu.dma_semaphore, #tpu.memory_space<semaphore_mem>>) {add = true}
      %dma_wait3A_87 = arith.constant 0 : i32
      %dma_wait3A_88 = tpu.memref_slice %arg7[%add3A_48, %dma_wait3A_87] : memref<40x128xi32, #tpu.memory_space<vmem>> -> memref<1x128xi32, #tpu.memory_space<vmem>>
      %dma_wait3A_89 = tpu.memref_squeeze %dma_wait3A_88 : memref<1x128xi32, #tpu.memory_space<vmem>> -> memref<128xi32, #tpu.memory_space<vmem>>
      %dma_wait3A_90 = arith.constant 0 : i32
      %dma_wait3A_91 = arith.constant 0 : i32
      %dma_wait3A_92 = tpu.memref_slice %arg14[%dma_wait3A_90, %dma_wait3A_91] : memref<10240x128xf32, #tpu.memory_space<vmem_shared>> -> memref<10240x128xf32, #tpu.memory_space<vmem_shared>>
      tpu.wait_indirect_dma semaphore(%arg11 : memref<!tpu.dma_semaphore, #tpu.memory_space<semaphore_mem>>) src(%arg8 : memref<128x128xf32, #tpu.memory_space<vmem>>) dst(%dma_wait3A_92 : memref<10240x128xf32, #tpu.memory_space<vmem_shared>>)
      %dma_wait3A_93 = arith.constant 0 : i32
      %dma_wait3A_94 = tpu.memref_slice %arg7[%add3A_80, %dma_wait3A_93] : memref<40x128xi32, #tpu.memory_space<vmem>> -> memref<1x128xi32, #tpu.memory_space<vmem>>
      %dma_wait3A_95 = tpu.memref_squeeze %dma_wait3A_94 : memref<1x128xi32, #tpu.memory_space<vmem>> -> memref<128xi32, #tpu.memory_space<vmem>>
      %dma_wait3A_96 = arith.constant 0 : i32
      %dma_wait3A_97 = arith.constant 0 : i32
      %dma_wait3A_98 = tpu.memref_slice %arg14[%dma_wait3A_96, %dma_wait3A_97] : memref<10240x128xf32, #tpu.memory_space<vmem_shared>> -> memref<10240x128xf32, #tpu.memory_space<vmem_shared>>
      tpu.wait_indirect_dma semaphore(%arg13 : memref<!tpu.dma_semaphore, #tpu.memory_space<semaphore_mem>>) src(%arg9 : memref<128x128xf32, #tpu.memory_space<vmem>>) dst(%dma_wait3A_98 : memref<10240x128xf32, #tpu.memory_space<vmem_shared>>)
    }
    %scan3A_35 = arith.constant 20 : i32
    %barrier3A_36 = arith.constant 0 : index
    tpu.barrier barrier_id(%barrier3A_36)
    %mul3A_37 = arith.constant 640 : i32
    %mul3A_38 = arith.muli %arg1, %mul3A_37 : i32
    %mul3A_39 = arith.constant 10240 : i32
    %mul3A_40 = arith.muli %arg0, %mul3A_39 : i32
    %mul3A_41 = arith.constant 640 : i32
    %mul3A_42 = arith.muli %arg1, %mul3A_41 : i32
    %add3A_43 = arith.addi %mul3A_40, %mul3A_42 : i32
    "tpu.region"() ({
      %run_scoped3A = tpu.sem_alloc : memref<!tpu.dma_semaphore, #tpu.memory_space<semaphore_mem>>
      %dma_start3A = arith.constant 0 : i32
      %dma_start3A_44 = tpu.memref_slice %arg5[%add3A_43, %dma_start3A] : memref<20480x128xf32, #tpu.memory_space<hbm>> -> memref<640x128xf32, #tpu.memory_space<hbm>>
      %dma_start3A_45 = arith.constant 0 : i32
      %dma_start3A_46 = tpu.memref_slice %arg14[%mul3A_38, %dma_start3A_45] : memref<10240x128xf32, #tpu.memory_space<vmem_shared>> -> memref<640x128xf32, #tpu.memory_space<vmem_shared>>
      tpu.enqueue_dma source(%dma_start3A_46 : memref<640x128xf32, #tpu.memory_space<vmem_shared>>) target(%dma_start3A_44 : memref<640x128xf32, #tpu.memory_space<hbm>>) target_semaphore(%run_scoped3A : memref<!tpu.dma_semaphore, #tpu.memory_space<semaphore_mem>>)
      %dma_wait3A = arith.constant 0 : i32
      %dma_wait3A_47 = tpu.memref_slice %arg5[%add3A_43, %dma_wait3A] : memref<20480x128xf32, #tpu.memory_space<hbm>> -> memref<640x128xf32, #tpu.memory_space<hbm>>
      %dma_wait3A_48 = arith.constant 0 : i32
      %dma_wait3A_49 = tpu.memref_slice %arg14[%mul3A_38, %dma_wait3A_48] : memref<10240x128xf32, #tpu.memory_space<vmem_shared>> -> memref<640x128xf32, #tpu.memory_space<vmem_shared>>
      tpu.wait_dma2 semaphore(%run_scoped3A : memref<!tpu.dma_semaphore, #tpu.memory_space<semaphore_mem>>) src(%dma_wait3A_49 : memref<640x128xf32, #tpu.memory_space<vmem_shared>>) dst(%dma_wait3A_47 : memref<640x128xf32, #tpu.memory_space<hbm>>)
      tpu.yield
    }) : () -> ()
    return
  }
}

module attributes {stable_mosaic.version = 14 : i64} {
  func.func @_norm_body(%arg0: i32, %arg1: memref<2x640x128xf32, #tpu.memory_space<vmem>>, %arg2: memref<640x128xf32, #tpu.memory_space<vmem>>, %arg3: memref<128x128xf32, #tpu.memory_space<vmem>>, %arg4: memref<640x128xf32, #tpu.memory_space<vmem>>, %arg5: memref<1x640xf32, #tpu.memory_space<vmem>>) attributes {dimension_semantics = [#tpu.dimension_semantics<arbitrary>], iteration_bounds = array<i64: 16>, scalar_prefetch = 0 : i64, scratch_operands = 0 : i64, tpu.core_type = #tpu.core_type<tc>, window_params = [{transform_indices = @transform_0, window_bounds = array<i64: 2, 640, 128>}, {transform_indices = @transform_1, window_bounds = array<i64: 640, 128>}, {pipeline_mode = #tpu.pipeline_mode<synchronous>, transform_indices = @transform_2, window_bounds = array<i64: 128, 128>}, {transform_indices = @transform_3, window_bounds = array<i64: 640, 128>}, {transform_indices = @transform_4, window_bounds = array<i64: 1, 640>}]} {
    %get3A = arith.constant 0 : index
    %get3A_0 = arith.constant 0 : index
    %get3A_1 = arith.constant 0 : index
    %get3A_2 = vector.load %arg1[%get3A, %get3A_0, %get3A_1] : memref<2x640x128xf32, #tpu.memory_space<vmem>>, vector<1x640x1xf32>
    %get3A_3 = vector.shape_cast %get3A_2 : vector<1x640x1xf32> to vector<640xf32>
    %get3A_4 = arith.constant 1 : index
    %get3A_5 = arith.constant 0 : index
    %get3A_6 = arith.constant 0 : index
    %get3A_7 = vector.load %arg1[%get3A_4, %get3A_5, %get3A_6] : memref<2x640x128xf32, #tpu.memory_space<vmem>>, vector<1x640x1xf32>
    %get3A_8 = vector.shape_cast %get3A_7 : vector<1x640x1xf32> to vector<640xf32>
    %add3A = arith.addf %get3A_3, %get3A_8 : vector<640xf32>
    %add3A_9 = arith.constant 1.000000e+00 : f32
    %add3A_10 = vector.broadcast %add3A_9 : f32 to vector<640xf32>
    %add3A_11 = arith.addf %add3A, %add3A_10 : vector<640xf32>
    %rsqrt3A = math.rsqrt %add3A_11 : vector<640xf32>
    %swap3A = arith.constant 0 : index
    %swap3A_12 = arith.constant 0 : index
    %swap3A_13 = vector.load %arg5[%swap3A, %swap3A_12] : memref<1x640xf32, #tpu.memory_space<vmem>>, vector<1x640xf32>
    %swap3A_14 = vector.shape_cast %swap3A_13 : vector<1x640xf32> to vector<640xf32>
    %swap3A_15 = vector.shape_cast %rsqrt3A : vector<640xf32> to vector<1x640xf32>
    tpu.vector_store %arg5[%swap3A, %swap3A_12], %swap3A_15 {strides = array<i32>} : memref<1x640xf32, #tpu.memory_space<vmem>>, vector<1x640xf32>,
    %get3A_16 = arith.constant 0 : index
    %get3A_17 = arith.constant 0 : index
    %get3A_18 = vector.load %arg2[%get3A_16, %get3A_17] : memref<640x128xf32, #tpu.memory_space<vmem>>, vector<640x128xf32>
    %get3A_19 = arith.constant 0 : index
    %get3A_20 = arith.constant 0 : index
    %get3A_21 = vector.load %arg3[%get3A_19, %get3A_20] : memref<128x128xf32, #tpu.memory_space<vmem>>, vector<128x128xf32>
    %dot_general3A = arith.constant dense<0.000000e+00> : vector<640x128xf32>
    %dot_general3A_22 = tpu.matmul %get3A_18, %get3A_21, %dot_general3A {dimension_numbers = #tpu.dot_dimension_numbers<[1], [0], [0], [1], [0, 0, 1, 1], [], []>, transpose_lhs_hint = false} : vector<640x128xf32>, vector<128x128xf32>, vector<640x128xf32> -> vector<640x128xf32>
    %broadcast_in_dim3A = vector.shape_cast %rsqrt3A : vector<640xf32> to vector<640x1xf32>
    %mul3A = vector.broadcast %broadcast_in_dim3A : vector<640x1xf32> to vector<640x128xf32>
    %mul3A_23 = arith.mulf %dot_general3A_22, %mul3A : vector<640x128xf32>
    %swap3A_24 = arith.constant 0 : index
    %swap3A_25 = arith.constant 0 : index
    %swap3A_26 = vector.load %arg4[%swap3A_24, %swap3A_25] : memref<640x128xf32, #tpu.memory_space<vmem>>, vector<640x128xf32>
    tpu.vector_store %arg4[%swap3A_24, %swap3A_25], %mul3A_23 {strides = array<i32>} : memref<640x128xf32, #tpu.memory_space<vmem>>, vector<640x128xf32>,
    return
  }
  func.func @transform_0(%arg0: i32) -> (i32, i32, i32) {
    %c0_i32 = arith.constant 0 : i32
    %c0_i32_0 = arith.constant 0 : i32
    %c0_i32_1 = arith.constant 0 : i32
    return %c0_i32, %arg0, %c0_i32_0 : i32, i32, i32
  }
  func.func @transform_1(%arg0: i32) -> (i32, i32) {
    %c0_i32 = arith.constant 0 : i32
    %c0_i32_0 = arith.constant 0 : i32
    return %arg0, %c0_i32 : i32, i32
  }
  func.func @transform_2(%arg0: i32) -> (i32, i32) {
    %c0_i32 = arith.constant 0 : i32
    %c0_i32_0 = arith.constant 0 : i32
    %c0_i32_1 = arith.constant 0 : i32
    return %c0_i32, %c0_i32_0 : i32, i32
  }
  func.func @transform_3(%arg0: i32) -> (i32, i32) {
    %c0_i32 = arith.constant 0 : i32
    %c0_i32_0 = arith.constant 0 : i32
    return %arg0, %c0_i32 : i32, i32
  }
  func.func @transform_4(%arg0: i32) -> (i32, i32) {
    %c0_i32 = arith.constant 0 : i32
    %c0_i32_0 = arith.constant 0 : i32
    return %c0_i32, %arg0 : i32, i32
  }
}

module attributes {stable_mosaic.version = 14 : i64} {
  func.func @_final_body(%arg0: i32, %arg1: memref<2x640x128xf32, #tpu.memory_space<vmem>>, %arg2: memref<640x128xf32, #tpu.memory_space<vmem>>, %arg3: memref<1x640xf32, #tpu.memory_space<vmem>>, %arg4: memref<1x128xf32, #tpu.memory_space<vmem>>, %arg5: memref<640x128xf32, #tpu.memory_space<vmem>>) attributes {dimension_semantics = [#tpu.dimension_semantics<arbitrary>], iteration_bounds = array<i64: 16>, scalar_prefetch = 0 : i64, scratch_operands = 0 : i64, tpu.core_type = #tpu.core_type<tc>, window_params = [{transform_indices = @transform_0, window_bounds = array<i64: 2, 640, 128>}, {transform_indices = @transform_1, window_bounds = array<i64: 640, 128>}, {transform_indices = @transform_2, window_bounds = array<i64: 1, 640>}, {pipeline_mode = #tpu.pipeline_mode<synchronous>, transform_indices = @transform_3, window_bounds = array<i64: 1, 128>}, {transform_indices = @transform_4, window_bounds = array<i64: 640, 128>}]} {
    %get3A = arith.constant 0 : index
    %get3A_0 = arith.constant 0 : index
    %get3A_1 = arith.constant 0 : index
    %get3A_2 = vector.load %arg1[%get3A, %get3A_0, %get3A_1] : memref<2x640x128xf32, #tpu.memory_space<vmem>>, vector<2x640x128xf32>
    %get3A_3 = arith.constant 0 : index
    %get3A_4 = arith.constant 0 : index
    %get3A_5 = vector.load %arg3[%get3A_3, %get3A_4] : memref<1x640xf32, #tpu.memory_space<vmem>>, vector<1x640xf32>
    %get3A_6 = vector.shape_cast %get3A_5 : vector<1x640xf32> to vector<640xf32>
    %broadcast_in_dim3A = vector.shape_cast %get3A_6 : vector<640xf32> to vector<640x1xf32>
    %slice3A = vector.extract_strided_slice %get3A_2 {offsets = [0, 0, 0], sizes = [1, 640, 128], strides = [1, 1, 1]} : vector<2x640x128xf32> to vector<1x640x128xf32>
    %squeeze3A = vector.shape_cast %slice3A : vector<1x640x128xf32> to vector<640x128xf32>
    %slice3A_7 = vector.extract_strided_slice %get3A_2 {offsets = [1, 0, 0], sizes = [1, 640, 128], strides = [1, 1, 1]} : vector<2x640x128xf32> to vector<1x640x128xf32>
    %squeeze3A_8 = vector.shape_cast %slice3A_7 : vector<1x640x128xf32> to vector<640x128xf32>
    %add3A = arith.addf %squeeze3A, %squeeze3A_8 : vector<640x128xf32>
    %get3A_9 = arith.constant 0 : index
    %get3A_10 = arith.constant 0 : index
    %get3A_11 = vector.load %arg2[%get3A_9, %get3A_10] : memref<640x128xf32, #tpu.memory_space<vmem>>, vector<640x128xf32>
    %add3A_12 = arith.addf %add3A, %get3A_11 : vector<640x128xf32>
    %mul3A = vector.broadcast %broadcast_in_dim3A : vector<640x1xf32> to vector<640x128xf32>
    %mul3A_13 = arith.mulf %add3A_12, %mul3A : vector<640x128xf32>
    %get3A_14 = arith.constant 0 : index
    %get3A_15 = arith.constant 0 : index
    %get3A_16 = vector.load %arg4[%get3A_14, %get3A_15] : memref<1x128xf32, #tpu.memory_space<vmem>>, vector<1x128xf32>
    %add3A_17 = vector.broadcast %get3A_16 : vector<1x128xf32> to vector<640x128xf32>
    %add3A_18 = arith.addf %mul3A_13, %add3A_17 : vector<640x128xf32>
    %swap3A = arith.constant 0 : index
    %swap3A_19 = arith.constant 0 : index
    %swap3A_20 = vector.load %arg5[%swap3A, %swap3A_19] : memref<640x128xf32, #tpu.memory_space<vmem>>, vector<640x128xf32>
    tpu.vector_store %arg5[%swap3A, %swap3A_19], %add3A_18 {strides = array<i32>} : memref<640x128xf32, #tpu.memory_space<vmem>>, vector<640x128xf32>,
    return
  }
  func.func @transform_0(%arg0: i32) -> (i32, i32, i32) {
    %c0_i32 = arith.constant 0 : i32
    %c0_i32_0 = arith.constant 0 : i32
    %c0_i32_1 = arith.constant 0 : i32
    return %c0_i32, %arg0, %c0_i32_0 : i32, i32, i32
  }
  func.func @transform_1(%arg0: i32) -> (i32, i32) {
    %c0_i32 = arith.constant 0 : i32
    %c0_i32_0 = arith.constant 0 : i32
    return %arg0, %c0_i32 : i32, i32
  }
  func.func @transform_2(%arg0: i32) -> (i32, i32) {
    %c0_i32 = arith.constant 0 : i32
    %c0_i32_0 = arith.constant 0 : i32
    return %c0_i32, %arg0 : i32, i32
  }
  func.func @transform_3(%arg0: i32) -> (i32, i32) {
    %c0_i32 = arith.constant 0 : i32
    %c0_i32_0 = arith.constant 0 : i32
    %c0_i32_1 = arith.constant 0 : i32
    return %c0_i32, %c0_i32_0 : i32, i32
  }
  func.func @transform_4(%arg0: i32) -> (i32, i32) {
    %c0_i32 = arith.constant 0 : i32
    %c0_i32_0 = arith.constant 0 : i32
    return %arg0, %c0_i32 : i32, i32
  }
}

module attributes {stable_mosaic.version = 14 : i64} {
  func.func @_layer_body(%arg0: i32, %arg1: memref<2x640x128xf32, #tpu.memory_space<vmem>>, %arg2: memref<640x128xf32, #tpu.memory_space<vmem>>, %arg3: memref<1x640xf32, #tpu.memory_space<vmem>>, %arg4: memref<1x128xf32, #tpu.memory_space<vmem>>, %arg5: memref<128x128xf32, #tpu.memory_space<vmem>>, %arg6: memref<640x128xf32, #tpu.memory_space<vmem>>) attributes {dimension_semantics = [#tpu.dimension_semantics<arbitrary>], iteration_bounds = array<i64: 16>, scalar_prefetch = 0 : i64, scratch_operands = 0 : i64, tpu.core_type = #tpu.core_type<tc>, window_params = [{transform_indices = @transform_0, window_bounds = array<i64: 2, 640, 128>}, {transform_indices = @transform_1, window_bounds = array<i64: 640, 128>}, {transform_indices = @transform_2, window_bounds = array<i64: 1, 640>}, {pipeline_mode = #tpu.pipeline_mode<synchronous>, transform_indices = @transform_3, window_bounds = array<i64: 1, 128>}, {pipeline_mode = #tpu.pipeline_mode<synchronous>, transform_indices = @transform_4, window_bounds = array<i64: 128, 128>}, {transform_indices = @transform_5, window_bounds = array<i64: 640, 128>}]} {
    %get3A = arith.constant 0 : index
    %get3A_0 = arith.constant 0 : index
    %get3A_1 = arith.constant 0 : index
    %get3A_2 = vector.load %arg1[%get3A, %get3A_0, %get3A_1] : memref<2x640x128xf32, #tpu.memory_space<vmem>>, vector<2x640x128xf32>
    %get3A_3 = arith.constant 0 : index
    %get3A_4 = arith.constant 0 : index
    %get3A_5 = vector.load %arg3[%get3A_3, %get3A_4] : memref<1x640xf32, #tpu.memory_space<vmem>>, vector<1x640xf32>
    %get3A_6 = vector.shape_cast %get3A_5 : vector<1x640xf32> to vector<640xf32>
    %broadcast_in_dim3A = vector.shape_cast %get3A_6 : vector<640xf32> to vector<640x1xf32>
    %slice3A = vector.extract_strided_slice %get3A_2 {offsets = [0, 0, 0], sizes = [1, 640, 128], strides = [1, 1, 1]} : vector<2x640x128xf32> to vector<1x640x128xf32>
    %squeeze3A = vector.shape_cast %slice3A : vector<1x640x128xf32> to vector<640x128xf32>
    %slice3A_7 = vector.extract_strided_slice %get3A_2 {offsets = [1, 0, 0], sizes = [1, 640, 128], strides = [1, 1, 1]} : vector<2x640x128xf32> to vector<1x640x128xf32>
    %squeeze3A_8 = vector.shape_cast %slice3A_7 : vector<1x640x128xf32> to vector<640x128xf32>
    %add3A = arith.addf %squeeze3A, %squeeze3A_8 : vector<640x128xf32>
    %get3A_9 = arith.constant 0 : index
    %get3A_10 = arith.constant 0 : index
    %get3A_11 = vector.load %arg2[%get3A_9, %get3A_10] : memref<640x128xf32, #tpu.memory_space<vmem>>, vector<640x128xf32>
    %add3A_12 = arith.addf %add3A, %get3A_11 : vector<640x128xf32>
    %mul3A = vector.broadcast %broadcast_in_dim3A : vector<640x1xf32> to vector<640x128xf32>
    %mul3A_13 = arith.mulf %add3A_12, %mul3A : vector<640x128xf32>
    %get3A_14 = arith.constant 0 : index
    %get3A_15 = arith.constant 0 : index
    %get3A_16 = vector.load %arg4[%get3A_14, %get3A_15] : memref<1x128xf32, #tpu.memory_space<vmem>>, vector<1x128xf32>
    %add3A_17 = vector.broadcast %get3A_16 : vector<1x128xf32> to vector<640x128xf32>
    %add3A_18 = arith.addf %mul3A_13, %add3A_17 : vector<640x128xf32>
    %max3A = arith.constant 0.000000e+00 : f32
    %max3A_19 = vector.broadcast %max3A : f32 to vector<640x128xf32>
    %max3A_20 = arith.maximumf %add3A_18, %max3A_19 : vector<640x128xf32>
    %get3A_21 = arith.constant 0 : index
    %get3A_22 = arith.constant 0 : index
    %get3A_23 = vector.load %arg5[%get3A_21, %get3A_22] : memref<128x128xf32, #tpu.memory_space<vmem>>, vector<128x128xf32>
    %dot_general3A = arith.constant dense<0.000000e+00> : vector<640x128xf32>
    %dot_general3A_24 = tpu.matmul %max3A_20, %get3A_23, %dot_general3A {dimension_numbers = #tpu.dot_dimension_numbers<[1], [0], [0], [1], [0, 0, 1, 1], [], []>, transpose_lhs_hint = false} : vector<640x128xf32>, vector<128x128xf32>, vector<640x128xf32> -> vector<640x128xf32>
    %mul3A_25 = vector.broadcast %broadcast_in_dim3A : vector<640x1xf32> to vector<640x128xf32>
    %mul3A_26 = arith.mulf %dot_general3A_24, %mul3A_25 : vector<640x128xf32>
    %swap3A = arith.constant 0 : index
    %swap3A_27 = arith.constant 0 : index
    %swap3A_28 = vector.load %arg6[%swap3A, %swap3A_27] : memref<640x128xf32, #tpu.memory_space<vmem>>, vector<640x128xf32>
    tpu.vector_store %arg6[%swap3A, %swap3A_27], %mul3A_26 {strides = array<i32>} : memref<640x128xf32, #tpu.memory_space<vmem>>, vector<640x128xf32>,
    return
  }
  func.func @transform_0(%arg0: i32) -> (i32, i32, i32) {
    %c0_i32 = arith.constant 0 : i32
    %c0_i32_0 = arith.constant 0 : i32
    %c0_i32_1 = arith.constant 0 : i32
    return %c0_i32, %arg0, %c0_i32_0 : i32, i32, i32
  }
  func.func @transform_1(%arg0: i32) -> (i32, i32) {
    %c0_i32 = arith.constant 0 : i32
    %c0_i32_0 = arith.constant 0 : i32
    return %arg0, %c0_i32 : i32, i32
  }
  func.func @transform_2(%arg0: i32) -> (i32, i32) {
    %c0_i32 = arith.constant 0 : i32
    %c0_i32_0 = arith.constant 0 : i32
    return %c0_i32, %arg0 : i32, i32
  }
  func.func @transform_3(%arg0: i32) -> (i32, i32) {
    %c0_i32 = arith.constant 0 : i32
    %c0_i32_0 = arith.constant 0 : i32
    %c0_i32_1 = arith.constant 0 : i32
    return %c0_i32, %c0_i32_0 : i32, i32
  }
  func.func @transform_4(%arg0: i32) -> (i32, i32) {
    %c0_i32 = arith.constant 0 : i32
    %c0_i32_0 = arith.constant 0 : i32
    %c0_i32_1 = arith.constant 0 : i32
    return %c0_i32, %c0_i32_0 : i32, i32
  }
  func.func @transform_5(%arg0: i32) -> (i32, i32) {
    %c0_i32 = arith.constant 0 : i32
    %c0_i32_0 = arith.constant 0 : i32
    return %arg0, %c0_i32 : i32, i32
  }
}

</mosaic_0001>

<sc_bundles>
// kernel: kernel.11.cloned.1.call-start
scs
__scs_entry_jumppad:
0x0: {  	(pc) =	sbr.rel $0x88, $3  }
0x1: {  	(tag) =	ssettag $0x0;
	lr =	simm.s32 $0x1  }
0x2: {  	[smem:$0x3F9B] =	sst lr;
	_ =	strace $0xD0000000  }
0x3: {  	_ = 	snop  }
0x4: {  	_ = 	snop  }
0x5: {  	_ = 	snop  }
0x6: {  	_ = 	snop  }
0x7: {  	_ = 	snop  }
__scs_overlays_trampoline_lowered:
0x8: {  	[smem:$0x3FAA] =	sst s0  }
0x9: {  	[smem:$0x3FAB] =	sst s1  }
0xa: {  	[smem:$0x3FAC] =	sst s2  }
0xb: {  	[smem:$0x3FAD] =	sst s3  }
0xc: {  	[smem:$0x3FAE] =	sst s4  }
0xd: {  	[smem:$0x3FAF] =	sst s5  }
0xe: {  	[smem:$0x3FB0] =	sst s6  }
0xf: {  	[smem:$0x3FB1] =	sst s7  }
0x10: {  	[smem:$0x3FB2] =	sst s8  }
0x11: {  	[smem:$0x3FB3] =	sst s9;
	s0 =	simm.s32 @!p0 $0x0  }
0x12: {  	s1 =	sld [smem:$0x3F99];
	s0 =	simm.s32 @p0 $0x1  }
0x13: {  	[smem:$0x3FB4] =	sst s0;
	s0 =	simm.s32 @!p1 $0x0  }
0x14: {  	s2 =	sld [smem:$0x3F98];
	s0 =	simm.s32 @p1 $0x1  }
0x15: {  	[smem:$0x3FB5] =	sst s0;
	s0 =	simm.s32 @!p2 $0x0  }
0x16: {  	s3 =	sld [smem:$0x3FDB];
	s0 =	simm.s32 @p2 $0x1  }
0x17: {  	s4 =	simm.s32 $0x1BF5;
	[smem:$0x3FB7] =	sst s0  }
0x18: {  	s0 =	sld [smem:$0x3F9A];
	_ =	swait.ge [sflag:s4], $0x0  }
0x19: {  	s7 =	sld [smem:$0x3F9B]  }
0x1a: {  	s8 =	sadd.s32 $0xFFFFE003, lr  }
0x1b: {  	s9 =	sadd.s32 $0xFFFFFEF7, lr;
	s5 =	simm.s32 $0xFFFFFFFF;
	p2 =	slt.u32 s8, $0xFFFFF086  }
0x1c: {  	p1 =	slt.u32 s9, $0xF7A;
	s5 =	simm.s32 @!p2 $0x0  }
0x1d: {  	s5 =	simm.s32 @p1 $0x1;
	p0 =	seq.s32 s7, s2  }
0x1e: {  	s7 =	smul.u32 @!p0 $0xF7A, s2;
	p2 =	seq.s32 @!p0 s5, $0x0  }
0x1f: {  	s9 =	smul.u32 $0xF7A, s1;
	s8 =	simm.s32 @!p0 $0x1BF5;
	p2 =	por !p2, p0  }
0x20: {  	[sflag:s8] =	ssyncset.s32 @!p0 $0xFFFFF086;
	s6 =	sadd.s32 @!p0 s3, s7;
	s7 =	simm.s32 @!p0 $0x108  }
0x21: {  	s3 =	sadd.s32 s3, s9;
	s6 =	sadd.s32 @!p0 $0x88, s6;
	s7 =	simm.s32 @p2 $0x1082  }
0x22: {  	[simem:s7], [sflag:s8] =	dma.local @!p0 [hbm:s6], $0xF7A  }
0x23: {  	s9 =	sor.u32 $0xD0000000, s2;
	s6 =	simm.s32 $0x108;
	_ =	swait.ge @!p0 [sflag:s8], $0x0  }
0x24: {  	s3 =	sadd.s32 $0x88, s3;
	s6 =	simm.s32 @!p1 $0x1082;
	[sflag:s4] =	ssyncset.s32 $0xFFFFF086  }
0x25: {  	[simem:s6], [sflag:s4] =	dma.local [hbm:s3], $0xF7A  }
0x26: {  	[smem:$0x3F9B] =	sst s1;
	(tag) =	ssettag s2;
	_ =	strace s9  }
0x27: {  	s1 =	sld [smem:$0x3FAB]  }
0x28: {  	s2 =	sld [smem:$0x3FAC]  }
0x29: {  	s4 =	sld [smem:$0x3FAE]  }
0x2a: {  	p0 =	seq.s32 s5, $0x0;
	s5 =	sld [smem:$0x3FAF]  }
0x2b: {  	s6 =	sld [smem:$0x3FB0]  }
0x2c: {  	s7 =	sld [smem:$0x3FB1]  }
0x2d: {  	s3 =	simm.s32 $0x108;
	s8 =	sld [smem:$0x3FB2]  }
0x2e: {  	s3 =	simm.s32 @!p0 $0x1082;
	s9 =	sld [smem:$0x3FB3]  }
0x2f: {  	lr =	sadd.s32 s0, s3;
	s0 =	sld [smem:$0x3FAA]  }
0x30: {  	s3 =	sld [smem:$0x3FAD]  }
0x31: {  	[smem:$0x3FB6] =	sst s10  }
0x32: {  	s10 =	sld [smem:$0x3FB4];
	_ =	sdelay $0x3  }
0x33: {  	p0 =	seq.s32 s10, $0x1;
	s10 =	sld [smem:$0x3FB6];
	_ =	sdelay $0x3  }
0x34: {  	[smem:$0x3FB6] =	sst s10  }
0x35: {  	s10 =	sld [smem:$0x3FB5];
	_ =	sdelay $0x3  }
0x36: {  	p1 =	seq.s32 s10, $0x1;
	s10 =	sld [smem:$0x3FB6];
	_ =	sdelay $0x3  }
0x37: {  	[smem:$0x3FB6] =	sst s10  }
0x38: {  	s10 =	sld [smem:$0x3FB7]  }
0x39: {  	_ = 	snop;
	(pc) =	sbr.ind lr, $3  }
0x3a: {  	_ = 	snop  }
0x3b: {  	_ = 	snop  }
0x3c: {  	p2 =	seq.s32 s10, $0x1;
	s10 =	sld [smem:$0x3FB6]  }
0x3d: {  	_ =	shalt  }
0x3e: {  	_ =	shalt  }
0x3f: {  	_ =	shalt  }
0x40: {  	_ =	shalt  }
0x41: {  	_ =	shalt  }
0x42: {  	_ =	shalt  }
0x43: {  	_ =	shalt  }
0x44: {  	_ =	shalt  }
0x45: {  	_ =	shalt  }
0x46: {  	_ =	shalt  }
0x47: {  	_ =	shalt  }
0x48: {  	_ =	shalt  }
0x49: {  	_ =	shalt  }
0x4a: {  	_ =	shalt  }
0x4b: {  	_ =	shalt  }
0x4c: {  	_ =	shalt  }
0x4d: {  	_ =	shalt  }
0x4e: {  	_ =	shalt  }
0x4f: {  	_ =	shalt  }
0x50: {  	_ =	shalt  }
0x51: {  	_ =	shalt  }
0x52: {  	_ =	shalt  }
0x53: {  	_ =	shalt  }
0x54: {  	_ =	shalt  }
0x55: {  	_ =	shalt  }
0x56: {  	_ =	shalt  }
0x57: {  	_ =	shalt  }
0x58: {  	_ =	shalt  }
0x59: {  	_ =	shalt  }
0x5a: {  	_ =	shalt  }
0x5b: {  	_ =	shalt  }
0x5c: {  	_ =	shalt  }
0x5d: {  	_ =	shalt  }
0x5e: {  	_ =	shalt  }
0x5f: {  	_ =	shalt  }
0x60: {  	_ =	shalt  }
0x61: {  	_ =	shalt  }
0x62: {  	_ =	shalt  }
0x63: {  	_ =	shalt  }
0x64: {  	_ =	shalt  }
0x65: {  	_ =	shalt  }
0x66: {  	_ =	shalt  }
0x67: {  	_ =	shalt  }
0x68: {  	_ =	shalt  }
0x69: {  	_ =	shalt  }
0x6a: {  	_ =	shalt  }
0x6b: {  	_ =	shalt  }
0x6c: {  	_ =	shalt  }
0x6d: {  	_ =	shalt  }
0x6e: {  	_ =	shalt  }
0x6f: {  	_ =	shalt  }
0x70: {  	_ =	shalt  }
0x71: {  	_ =	shalt  }
0x72: {  	_ =	shalt  }
0x73: {  	_ =	shalt  }
0x74: {  	_ =	shalt  }
0x75: {  	_ =	shalt  }
0x76: {  	_ =	shalt  }
0x77: {  	_ =	shalt  }
0x78: {  	_ =	shalt  }
0x79: {  	_ =	shalt  }
0x7a: {  	_ =	shalt  }
0x7b: {  	_ =	shalt  }
0x7c: {  	_ =	shalt  }
0x7d: {  	_ =	shalt  }
0x7e: {  	_ =	shalt  }
0x7f: {  	_ =	shalt  }
0x80: {  	_ =	shalt  }
0x81: {  	_ =	shalt  }
0x82: {  	_ =	shalt  }
0x83: {  	_ =	shalt  }
0x84: {  	_ =	shalt  }
0x85: {  	_ =	shalt  }
0x86: {  	_ =	shalt  }
0x87: {  	_ =	shalt  }
.Lfunc_end0:
.L_simem_size_0:
called_computation.1_lowered:
.L_overlay_start_0:
0x88: {  	s2 =	sld [smem:$0x3FD9]  }
0x89: {  	s3 =	sld [smem:$0x3FFE];
	_ =	sdelay $0x1  }
0x8a: {  	s1 =	srdreg.scid  }
0x8b: {  	s0 =	sand.u32 $0x1, s1  }
0x8c: {  	s17 =	sshll.u32 s0, $0xA;
	s2 =	sadd.s32 s3, s2  }
0x8d: {  	s2 =	sadd.s32 s2, s17  }
0x8e: {  	[smem:$0x3FC2] =	sst s2  }
0x8f: {  	_ = 	snop  }
0x90: {  	s2 =	sld [smem:$0x3FD0];
	(tm) =	ssettm $0x1  }
0x91: {  	s18 =	sld [smem:$0x3FFB];
	_ =	sdelay $0x3  }
0x92: {  	_ =	strace s18  }
0x93: {  	s3 =	sld [smem:$0x3FFC];
	_ =	sdelay $0x3  }
0x94: {  	_ =	strace s3  }
0x95: {  	s3 =	sld [smem:$0x3FFD];
	_ =	sdelay $0x3  }
0x96: {  	_ =	strace s3  }
0x97: {  	_ =	strace $0x8FFFFFFF  }
0x98: {  	s19 =	sld [smem:$0x3FDB];
	_ =	sdelay $0x1  }
0x99: {  	s4 =	simm.s32 $_scs_section_size  }
0x9a: {  	s5 =	simm.s32 $_size__tile_overlayer_lowered;
	s6 =	simm.s32 $_tile_overlayer_lowered  }
0x9b: {  	s22 =	simm.s32 $0x1BFF;
	s21 =	sshll.u32 s6, $0x1;
	s3 =	sadd.s32 s4, s19  }
0x9c: {  	s7 =	simm.s32 $0x0;
	s20 =	sshll.u32 s5, $0x1;
	s5 =	sadd.s32 s21, s3  }
0x9d: {  	[timem:s7], [sflag:s22] =	dma.local [hbm:s5], s20  }
0x9e: {  	_ =	swait.ge [sflag:s22], s20  }
0x9f: {  	s4 =	ssub.s32 $0x0, s20;
	[sflag:s22] =	ssyncset.done $0x0  }
0xa0: {  	[sflag:s22] =	ssyncadd.s32 s4;
	_ =	sdelay $0x1  }
0xa1: {  	s23 =	simm.s32 $0x1B8B  }
0xa2: {  	_ =	swait.ge [sflag:s23], $0x1  }
0xa3: {  	[sflag:s23] =	ssyncset.done $0x0  }
0xa4: {  	s25 =	simm.s32 $0x1B8E;
	s24 =	sld [smem:$0x3FFE];
	[sflag:s23] =	ssyncadd.s32 $0xFFFFFFFF  }
0xa5: {  	s26 =	simm.s32 $execute0_lowered;
	[smem:$0x3FD2] =	sst s25  }
0xa6: {  	s5 =	sshll.u32 s26, $0x1;
	_ =	strace $0x80000049;
	[dreg:$0x1] =	wrdreg $0xFFFFFFFF  }
0xa7: {  	s28 =	simm.s32 $_size_execute0_lowered;
	s3 =	sadd.s32 s3, s5;
	[dreg:$0x0] =	wrdreg $0x0  }
0xa8: {  	s5 =	sshll.u32 s28, $0x1;
	[dreg:$0x2] =	wrdreg s3  }
0xa9: {  	[dreg:$0x3] =	wrdreg s5  }
0xaa: {  	[dreg:$0x4] =	wrdreg $0xC0  }
0xab: {  	_ =	task [dreg:s7], $0x5FFFF  }
0xac: {  	[dreg:$0x1] =	wrdreg $0xFFFFFFFF  }
0xad: {  	[dreg:$0x0] =	wrdreg $0x60  }
0xae: {  	[dreg:$0x2] =	wrdreg s24  }
0xaf: {  	[dreg:$0x3] =	wrdreg s2  }
0xb0: {  	[dreg:$0x4] =	wrdreg $0xA8000  }
0xb1: {  	[dreg:$0x5] =	wrdreg $0x9  }
0xb2: {  	_ =	task.clear_ibuf [dreg:s7], $0x6FFFF;
	_ =	strace $0x90000049  }
0xb3: {  	s29 =	simm.s32 $0x9;
	_ =	strace $0x8000004B  }
0xb4: {  	_ =	swait.ge [sflag:s29], $0x1  }
0xb5: {  	[sflag:s29] =	ssyncadd.s32 $0xFFFFFFFF  }
0xb6: {  	_ =	strace $0x9000004B  }
0xb7: {  	_ =	sfence  }
0xb8: {  	s30 =	sld [smem:$0x0];
	_ =	sdelay $0x2  }
0xb9: {  	s31 =	sshll.u32 s1, $0xD;
	s1 =	sshrl.u32 s1, $0x2  }
0xba: {  	s3 =	sand.u32 $0x4000, s31;
	s1 =	sadd.s32 s1, s30  }
0xbb: {  	s0 =	sor.u32 s3, s0;
	s1 =	sshll.u32 s1, $0x11  }
0xbc: {  	s0 =	sor.u32 s1, s0  }
0xbd: {  	s0 =	sadd.s32 $0x8F2B, s0  }
0xbe: {  	[sflag:s0] =	ssyncadd.remote.s32 $0x1  }
0xbf: {  	_ =	sfence.sel $0xFFFF  }
0xc0: {  	[dreg:$0x0] =	wrdreg $0xFFFFFFFF;
	(pc) =	sbr.abs _section_cstart, $3  }
0xc1: {  	[dreg:$0x1] =	wrdreg $0xFFFFFFFF  }
0xc2: {  	_ =	task.clear_ibuf [dreg:s7], $0x2FFFF;
	_ =	strace $0x9FFFFFFF  }
0xc3: {  	(tm) =	ssettm $0x7FFFFFFF  }
tec
execute0_lowered:
.L_overlay_start_1:
0x0: {  	(tag) =	ssettag $0x1  }
0x1: {  	s5 =	rddreg [dreg:$0x0]  }
0x2: {  	s8 =	rddreg [dreg:$0x1]  }
0x3: {  	s1 =	rddreg [dreg:$0x2]  }
0x4: {  	s0 =	rddreg [dreg:$0x3];
	s2 =	simm.s32 $0x0;
	s3 =	srdreg.scid  }
0x5: {  	s16 =	simm.s32 $0x2800;
	s17 =	simm.s32 $0x5;
	s18 =	simm.s32 $0x1400  }
0x6: {  	s19 =	simm.s32 $0x80;
	s20 =	simm.s32 $0x6800;
	s21 =	simm.s32 $0x1  }
0x7: {  	s22 =	simm.s32 $0x3;
	s23 =	simm.s32 $0x2;
	s24 =	simm.s32 $0x4  }
0x8: {  	[smem:$0x7FF] =	sst s2;
	s6 =	sand.u32 $0x1, s3;
	s4 =	sadd.s32 $0xCC00, s5  }
0x9: {  	s3 =	stileid.u32;
	s12 =	sadd.s32 $0x2C00, s5;
	s7 =	smul.u32 $0x28000, s6  }
0xa: {  	s9 =	smul.u32 $0x2800, s3;
	s10 =	sshll.u32 s6, $0x5;
	s11 =	sshll.u32 s3, $0x1  }
0xb: {  	s13 =	smul.u32 $0x50000, s3;
	s6 =	ssub.s32 $0x2, s6;
	s10 =	sor.u32 s11, s10  }
0xc: {  	_ =	strace $0x8000004A;
	s29 =	sshrl.u32 s6, $0x1;
	s26 =	smul.u32 $0x1400, s10  }
0xd: {  	s7 =	sadd.s32 s9, s7;
	s30 =	smul.u32 $0x280, s10;
	s31 =	sshrl.u32 s13, $0x2  }
0xe: {  	s14 =	ssub.s32 s6, s29;
	s28 =	sadd.s32 s7, s5;
	s5 =	sadd.s32 s31, s1  }
0xf: {  	s11 =	smax.u32 s14, $0x1;
	s9 =	sshrl.u32 s26, $0x3;
	s6 =	sadd.s32 s8, s30  }
0x10: {  	s7 =	sadd.s32 s12, s30;
	s10 =	sadd.s32 $0x34C00, s28;
	s13 =	sadd.s32 $0x8000, s5  }
0x11: {  	s14 =	sadd.s32 $0xC000, s5;
	s15 =	sadd.s32 $0x10000, s5;
	s9 =	sadd.s32 $0x280, s9  }
0x12: {  	v0 =	vimm.f32 $0.0e+00;
	s8 =	sadd.s32 s8, s9;
	s9 =	sadd.s32 s12, s9;
	s12 =	sadd.s32 $0x4000, s5  }
.LBB2_1:
0x13: {  	s25 =	simm.s32 $0x0;
	s26 =	simm.s32 $0x200  }
.LBB2_2:
0x14: {  	p0 =	sne.s32 s26, $0xFE00;
	[tilespmem:s25+$0x2870] =	vst v0  }
0x15: {  	[tilespmem:s25+$0x2800] =	vst v0  }
0x16: {  	[tilespmem:s25+$0x2810] =	vst v0  }
.Ltmp0:
0x17: {  	[tilespmem:s25+$0x2820] =	vst v0;
	(pc) =	sbr.rel @p0 .LBB2_2-.Ltmp0, $4  }
0x18: {  	[tilespmem:s25+$0x2830] =	vst v0  }
0x19: {  	[tilespmem:s25+$0x2840] =	vst v0  }
0x1a: {  	[tilespmem:s25+$0x2850] =	vst v0  }
0x1b: {  	[tilespmem:s25+$0x2860] =	vst v0;
	s25 =	sshra.s32 s26, $0x2;
	s26 =	sadd.s32 $0x200, s26  }
0x1c: {  	[tilespmem:s25+$0x2870] =	vst v0  }
0x1d: {  	[tilespmem:s25+$0x2800] =	vst v0  }
0x1e: {  	[tilespmem:s25+$0x2810] =	vst v0  }
0x1f: {  	[tilespmem:s25+$0x2820] =	vst v0  }
0x20: {  	[tilespmem:s25+$0x2830] =	vst v0  }
0x21: {  	[tilespmem:s25+$0x2840] =	vst v0  }
0x22: {  	[tilespmem:s25+$0x2850] =	vst v0  }
0x23: {  	[tilespmem:s25+$0x2860] =	vst v0  }
0x24: {  	[spmem:s5] =	stream.linear.scatter [tilespmem:s16], [sflag:$0x5], $0x4000, $0x38;
	[tilespmem:$0x1E800] =	vst v63  }
0x25: {  	_ =	swait.ge [sflag:s17], $0x4000  }
0x26: {  	[sflag:s17] =	ssyncset.done $0x0  }
0x27: {  	[sflag:s17] =	ssyncadd.s32 $0xFFFFC000  }
0x28: {  	[spmem:s12] =	stream.linear.scatter [tilespmem:s16], [sflag:$0x5], $0x4000, $0x38;
	[tilespmem:$0x1E800] =	vst v63  }
0x29: {  	_ =	swait.ge [sflag:s17], $0x4000  }
0x2a: {  	[sflag:s17] =	ssyncset.done $0x0  }
0x2b: {  	[sflag:s17] =	ssyncadd.s32 $0xFFFFC000  }
0x2c: {  	[spmem:s13] =	stream.linear.scatter [tilespmem:s16], [sflag:$0x5], $0x4000, $0x38;
	[tilespmem:$0x1E800] =	vst v63  }
0x2d: {  	_ =	swait.ge [sflag:s17], $0x4000  }
0x2e: {  	[sflag:s17] =	ssyncset.done $0x0  }
0x2f: {  	[sflag:s17] =	ssyncadd.s32 $0xFFFFC000  }
0x30: {  	[spmem:s14] =	stream.linear.scatter [tilespmem:s16], [sflag:$0x5], $0x4000, $0x38;
	[tilespmem:$0x1E800] =	vst v63  }
0x31: {  	_ =	swait.ge [sflag:s17], $0x4000  }
0x32: {  	[sflag:s17] =	ssyncset.done $0x0  }
0x33: {  	[sflag:s17] =	ssyncadd.s32 $0xFFFFC000  }
0x34: {  	[spmem:s15] =	stream.linear.scatter [tilespmem:s16], [sflag:$0x5], $0x4000, $0x38;
	[tilespmem:$0x1E800] =	vst v63  }
0x35: {  	_ =	swait.ge [sflag:s17], $0x4000  }
0x36: {  	[sflag:s17] =	ssyncset.done $0x0  }
0x37: {  	[sflag:s17] =	ssyncadd.s32 $0xFFFFC000  }
0x38: {  	s26 =	simm.s32 $0x0;
	[bflag:$0x0] =	sbarrier.arrive $0xFFFF  }
0x39: {  	[tilespmem:s26], [sflag:$0x5] =	stream.linear.gather [hbm4b:s6+s26], $0x1400, $0x38;
	[tilespmem:$0x1E800] =	vst v63  }
0x3a: {  	_ =	swait.ge [sflag:s17], $0x1400  }
0x3b: {  	[sflag:s17] =	ssyncset.done $0x0  }
0x3c: {  	[sflag:s17] =	ssyncadd.s32 $0xFFFFEC00  }
0x3d: {  	[tilespmem:s18], [sflag:$0x5] =	stream.linear.gather [hbm4b:s7+s26], $0x1400, $0x38;
	[tilespmem:$0x1E800] =	vst v63  }
0x3e: {  	_ =	swait.ge [sflag:s17], $0x1400  }
0x3f: {  	[sflag:s17] =	ssyncset.done $0x0  }
0x40: {  	s28 =	simm.s32 $0x0;
	[sflag:s17] =	ssyncadd.s32 $0xFFFFEC00  }
0x41: {  	[tilespmem:s16], [sflag:$0x1] =	stream.indirect.gather [hbm4b:s4+s19], $0x80, s28, s19, $0xb8;
	[tilespmem:$0x1E800] =	vst v63  }
0x42: {  	s29 =	simm.s32 $0x80  }
0x43: {  	[tilespmem:s20], [sflag:$0x3] =	stream.indirect.gather [hbm4b:s4+s19], $0x80, s29, s19, $0xb8;
	[tilespmem:$0x1E800] =	vst v63  }
0x44: {  	_ =	swait.ge [sflag:s21], $0x4000  }
0x45: {  	[sflag:s21] =	ssyncset.done $0x0  }
0x46: {  	s30 =	simm.s32 $0x1400;
	[sflag:s21] =	ssyncadd.s32 $0xFFFFC000  }
0x47: {  	[spmem:s1] =	stream.indirect.scatter.add.f32 [tilespmem:s16], [sflag:$0x2], $0x80, s30, s19, $0xb8;
	[tilespmem:$0x1E800] =	vst v63  }
0x48: {  	_ =	swait.ge [sflag:s22], $0x4000  }
0x49: {  	[sflag:s22] =	ssyncset.done $0x0  }
0x4a: {  	s31 =	simm.s32 $0x1480;
	[sflag:s22] =	ssyncadd.s32 $0xFFFFC000  }
0x4b: {  	[spmem:s1] =	stream.indirect.scatter.add.f32 [tilespmem:s20], [sflag:$0x4], $0x80, s31, s19, $0xb8;
	[tilespmem:$0x1E800] =	vst v63  }
0x4c: {  	_ =	swait.ge [sflag:s23], $0x4000  }
0x4d: {  	[sflag:s23] =	ssyncset.done $0x0  }
0x4e: {  	[sflag:s23] =	ssyncadd.s32 $0xFFFFC000  }
0x4f: {  	_ =	swait.ge [sflag:s24], $0x4000  }
0x50: {  	s25 =	simm.s32 $0x400;
	s26 =	simm.s32 $0x800;
	[sflag:s24] =	ssyncset.done $0x0  }
.LBB2_4:
0x51: {  	s28 =	sshra.s32 s25, $0x2  }
0x52: {  	[sflag:s24] =	ssyncadd.s32 $0xFFFFC000;
	s25 =	smov.u32 s26;
	s29 =	sadd.s32 $0x400, s26  }
0x53: {  	[tilespmem:s16], [sflag:$0x1] =	stream.indirect.gather [hbm4b:s4+s19], $0x80, s28, s19, $0xb8;
	[tilespmem:$0x1E800] =	vst v63  }
0x54: {  	p0 =	sne.s32 s26, $0x4C00;
	s26 =	sadd.s32 $0x80, s28  }
0x55: {  	[tilespmem:s20], [sflag:$0x3] =	stream.indirect.gather [hbm4b:s4+s19], $0x80, s26, s19, $0xb8;
	[tilespmem:$0x1E800] =	vst v63  }
0x56: {  	_ =	swait.ge [sflag:s21], $0x4000  }
0x57: {  	[sflag:s21] =	ssyncset.done $0x0  }
0x58: {  	s26 =	sadd.s32 $0x1400, s28;
	[sflag:s21] =	ssyncadd.s32 $0xFFFFC000  }
0x59: {  	[spmem:s1] =	stream.indirect.scatter.add.f32 [tilespmem:s16], [sflag:$0x2], $0x80, s26, s19, $0xb8;
	[tilespmem:$0x1E800] =	vst v63  }
0x5a: {  	_ =	swait.ge [sflag:s22], $0x4000  }
0x5b: {  	[sflag:s22] =	ssyncset.done $0x0  }
0x5c: {  	s26 =	sadd.s32 $0x1480, s28;
	[sflag:s22] =	ssyncadd.s32 $0xFFFFC000  }
0x5d: {  	[spmem:s1] =	stream.indirect.scatter.add.f32 [tilespmem:s20], [sflag:$0x4], $0x80, s26, s19, $0xb8;
	[tilespmem:$0x1E800] =	vst v63  }
.Ltmp1:
0x5e: {  	_ =	swait.ge [sflag:s23], $0x4000;
	(pc) =	sbr.rel @p0 .LBB2_4-.Ltmp1, $4  }
0x5f: {  	[sflag:s23] =	ssyncset.done $0x0  }
0x60: {  	[sflag:s23] =	ssyncadd.s32 $0xFFFFC000  }
0x61: {  	_ =	swait.ge [sflag:s24], $0x4000  }
0x62: {  	s26 =	smov.u32 s29;
	[sflag:s24] =	ssyncset.done $0x0  }
0x63: {  	s25 =	sshra.s32 s25, $0x2;
	[sflag:s24] =	ssyncadd.s32 $0xFFFFC000  }
0x64: {  	[tilespmem:s16], [sflag:$0x1] =	stream.indirect.gather [hbm4b:s4+s19], $0x80, s25, s19, $0xb8;
	[tilespmem:$0x1E800] =	vst v63  }
0x65: {  	s26 =	sadd.s32 $0x80, s25  }
0x66: {  	[tilespmem:s20], [sflag:$0x3] =	stream.indirect.gather [hbm4b:s4+s19], $0x80, s26, s19, $0xb8;
	[tilespmem:$0x1E800] =	vst v63  }
0x67: {  	_ =	swait.ge [sflag:s21], $0x4000  }
0x68: {  	[sflag:s21] =	ssyncset.done $0x0  }
0x69: {  	s31 =	sadd.s32 $0x1400, s25;
	[sflag:s21] =	ssyncadd.s32 $0xFFFFC000  }
0x6a: {  	[spmem:s1] =	stream.indirect.scatter.add.f32 [tilespmem:s16], [sflag:$0x2], $0x80, s31, s19, $0xb8;
	[tilespmem:$0x1E800] =	vst v63  }
0x6b: {  	_ =	swait.ge [sflag:s22], $0x4000  }
0x6c: {  	[sflag:s22] =	ssyncset.done $0x0  }
0x6d: {  	s25 =	sadd.s32 $0x1480, s25;
	[sflag:s22] =	ssyncadd.s32 $0xFFFFC000  }
0x6e: {  	[spmem:s1] =	stream.indirect.scatter.add.f32 [tilespmem:s20], [sflag:$0x4], $0x80, s25, s19, $0xb8;
	[tilespmem:$0x1E800] =	vst v63  }
0x6f: {  	_ =	swait.ge [sflag:s23], $0x4000  }
0x70: {  	[sflag:s23] =	ssyncset.done $0x0  }
0x71: {  	[sflag:s23] =	ssyncadd.s32 $0xFFFFC000  }
0x72: {  	_ =	swait.ge [sflag:s24], $0x4000  }
0x73: {  	[sflag:s24] =	ssyncset.done $0x0  }
0x74: {  	s26 =	simm.s32 $0x0;
	[sflag:s24] =	ssyncadd.s32 $0xFFFFC000  }
0x75: {  	[tilespmem:s26], [sflag:$0x5] =	stream.linear.gather [hbm4b:s8+s26], $0x1400, $0x38;
	[tilespmem:$0x1E800] =	vst v63  }
0x76: {  	_ =	swait.ge [sflag:s17], $0x1400  }
0x77: {  	[sflag:s17] =	ssyncset.done $0x0  }
0x78: {  	[sflag:s17] =	ssyncadd.s32 $0xFFFFEC00  }
0x79: {  	[tilespmem:s18], [sflag:$0x5] =	stream.linear.gather [hbm4b:s9+s26], $0x1400, $0x38;
	[tilespmem:$0x1E800] =	vst v63  }
0x7a: {  	_ =	swait.ge [sflag:s17], $0x1400  }
0x7b: {  	[sflag:s17] =	ssyncset.done $0x0  }
0x7c: {  	s28 =	simm.s32 $0x0;
	[sflag:s17] =	ssyncadd.s32 $0xFFFFEC00  }
0x7d: {  	[tilespmem:s16], [sflag:$0x1] =	stream.indirect.gather [hbm4b:s4+s19], $0x80, s28, s19, $0xb8;
	[tilespmem:$0x1E800] =	vst v63  }
0x7e: {  	s29 =	simm.s32 $0x80  }
0x7f: {  	[tilespmem:s20], [sflag:$0x3] =	stream.indirect.gather [hbm4b:s4+s19], $0x80, s29, s19, $0xb8;
	[tilespmem:$0x1E800] =	vst v63  }
0x80: {  	_ =	swait.ge [sflag:s21], $0x4000  }
0x81: {  	[sflag:s21] =	ssyncset.done $0x0  }
0x82: {  	s30 =	simm.s32 $0x1400;
	[sflag:s21] =	ssyncadd.s32 $0xFFFFC000  }
0x83: {  	[spmem:s1] =	stream.indirect.scatter.add.f32 [tilespmem:s16], [sflag:$0x2], $0x80, s30, s19, $0xb8;
	[tilespmem:$0x1E800] =	vst v63  }
0x84: {  	_ =	swait.ge [sflag:s22], $0x4000  }
0x85: {  	[sflag:s22] =	ssyncset.done $0x0  }
0x86: {  	s31 =	simm.s32 $0x1480;
	[sflag:s22] =	ssyncadd.s32 $0xFFFFC000  }
0x87: {  	[spmem:s1] =	stream.indirect.scatter.add.f32 [tilespmem:s20], [sflag:$0x4], $0x80, s31, s19, $0xb8;
	[tilespmem:$0x1E800] =	vst v63  }
0x88: {  	_ =	swait.ge [sflag:s23], $0x4000  }
0x89: {  	[sflag:s23] =	ssyncset.done $0x0  }
0x8a: {  	[sflag:s23] =	ssyncadd.s32 $0xFFFFC000  }
0x8b: {  	_ =	swait.ge [sflag:s24], $0x4000  }
0x8c: {  	s25 =	simm.s32 $0x400;
	s26 =	simm.s32 $0x800;
	[sflag:s24] =	ssyncset.done $0x0  }
.LBB2_6:
0x8d: {  	s28 =	sshra.s32 s25, $0x2  }
0x8e: {  	[sflag:s24] =	ssyncadd.s32 $0xFFFFC000;
	s25 =	smov.u32 s26;
	s29 =	sadd.s32 $0x400, s26  }
0x8f: {  	[tilespmem:s16], [sflag:$0x1] =	stream.indirect.gather [hbm4b:s4+s19], $0x80, s28, s19, $0xb8;
	[tilespmem:$0x1E800] =	vst v63  }
0x90: {  	p0 =	sne.s32 s26, $0x4C00;
	s26 =	sadd.s32 $0x80, s28  }
0x91: {  	[tilespmem:s20], [sflag:$0x3] =	stream.indirect.gather [hbm4b:s4+s19], $0x80, s26, s19, $0xb8;
	[tilespmem:$0x1E800] =	vst v63  }
0x92: {  	_ =	swait.ge [sflag:s21], $0x4000  }
0x93: {  	[sflag:s21] =	ssyncset.done $0x0  }
0x94: {  	s26 =	sadd.s32 $0x1400, s28;
	[sflag:s21] =	ssyncadd.s32 $0xFFFFC000  }
0x95: {  	[spmem:s1] =	stream.indirect.scatter.add.f32 [tilespmem:s16], [sflag:$0x2], $0x80, s26, s19, $0xb8;
	[tilespmem:$0x1E800] =	vst v63  }
0x96: {  	_ =	swait.ge [sflag:s22], $0x4000  }
0x97: {  	[sflag:s22] =	ssyncset.done $0x0  }
0x98: {  	s26 =	sadd.s32 $0x1480, s28;
	[sflag:s22] =	ssyncadd.s32 $0xFFFFC000  }
0x99: {  	[spmem:s1] =	stream.indirect.scatter.add.f32 [tilespmem:s20], [sflag:$0x4], $0x80, s26, s19, $0xb8;
	[tilespmem:$0x1E800] =	vst v63  }
.Ltmp2:
0x9a: {  	_ =	swait.ge [sflag:s23], $0x4000;
	(pc) =	sbr.rel @p0 .LBB2_6-.Ltmp2, $4  }
0x9b: {  	[sflag:s23] =	ssyncset.done $0x0  }
0x9c: {  	[sflag:s23] =	ssyncadd.s32 $0xFFFFC000  }
0x9d: {  	_ =	swait.ge [sflag:s24], $0x4000  }
0x9e: {  	s26 =	smov.u32 s29;
	[sflag:s24] =	ssyncset.done $0x0  }
0x9f: {  	s25 =	sshra.s32 s25, $0x2;
	[sflag:s24] =	ssyncadd.s32 $0xFFFFC000  }
0xa0: {  	[tilespmem:s16], [sflag:$0x1] =	stream.indirect.gather [hbm4b:s4+s19], $0x80, s25, s19, $0xb8;
	[tilespmem:$0x1E800] =	vst v63  }
0xa1: {  	s26 =	sadd.s32 $0x80, s25  }
0xa2: {  	[tilespmem:s20], [sflag:$0x3] =	stream.indirect.gather [hbm4b:s4+s19], $0x80, s26, s19, $0xb8;
	[tilespmem:$0x1E800] =	vst v63  }
0xa3: {  	_ =	swait.ge [sflag:s21], $0x4000  }
0xa4: {  	[sflag:s21] =	ssyncset.done $0x0  }
0xa5: {  	s29 =	sadd.s32 $0x1400, s25;
	[sflag:s21] =	ssyncadd.s32 $0xFFFFC000  }
0xa6: {  	[spmem:s1] =	stream.indirect.scatter.add.f32 [tilespmem:s16], [sflag:$0x2], $0x80, s29, s19, $0xb8;
	[tilespmem:$0x1E800] =	vst v63  }
0xa7: {  	_ =	swait.ge [sflag:s22], $0x4000  }
0xa8: {  	[sflag:s22] =	ssyncset.done $0x0  }
0xa9: {  	s25 =	sadd.s32 $0x1480, s25;
	[sflag:s22] =	ssyncadd.s32 $0xFFFFC000  }
0xaa: {  	[spmem:s1] =	stream.indirect.scatter.add.f32 [tilespmem:s20], [sflag:$0x4], $0x80, s25, s19, $0xb8;
	[tilespmem:$0x1E800] =	vst v63  }
0xab: {  	_ =	swait.ge [sflag:s23], $0x4000  }
0xac: {  	[sflag:s23] =	ssyncset.done $0x0  }
0xad: {  	[sflag:s23] =	ssyncadd.s32 $0xFFFFC000  }
0xae: {  	_ =	swait.ge [sflag:s24], $0x4000  }
0xaf: {  	s30 =	sshll.u32 s3, $0x6;
	s2 =	sadd.s32 $0x1, s2;
	[sflag:s24] =	ssyncset.done $0x0  }
0xb0: {  	s31 =	sshrl.u32 s5, $0x3;
	p0 =	sne.s32 s2, s11;
	[sflag:s24] =	ssyncadd.s32 $0xFFFFC000  }
.Ltmp3:
0xb1: {  	s25 =	sor.u32 $0x1C05, s30;
	[bflag:$0x0] =	sbarrier.arrive $0xFFFF;
	(pc) =	sbr.rel @p0 .LBB2_1-.Ltmp3, $4  }
0xb2: {  	[hbm:s10], [sflag:s25] =	dma.local [spmem:s31], $0x2800  }
0xb3: {  	_ =	swait.ge [sflag:s17], $0x2800  }
0xb4: {  	[sflag:s17] =	ssyncset.done $0x0  }
0xb5: {  	[sflag:s17] =	ssyncadd.s32 $0xFFFFD800  }
0xb6: {  	_ =	sfence.sel $0x180000  }
0xb7: {  	[bflag:$0x0] =	sbarrier.arrive $0xFFFF  }
0xb8: {  	p0 =	sne.s32 s3, $0x0;
	_ =	strace $0x9000004A  }
0xb9: {  	s0 =	sadd.s32 @!p0 $0x100000, s0;
	[bflag:$0x2] =	sbarrier.arrive $0xFFFF  }
0xba: {  	[sflag:s0] =	ssyncadd.tile.s32 @!p0 $0x1;
	_ =	shalt  }
.Lfunc_end2:
_tile_overlayer_lowered:
.L_overlay_start_2:
0xbb: {  	(tag) =	ssettag $0x2  }
0xbc: {  	s0 =	rddreg [dreg:$0x0];
	s2 =	stileid.u32  }
0xbd: {  	s1 =	rddreg [dreg:$0x1];
	p0 =	sne.s32 s2, $0x0  }
0xbe: {  	s3 =	rddreg [dreg:$0x2];
	[bflag:$0x3] =	sbarrier.arrive $0xFFFF;
	s2 =	simm.s32 @!p0 $0x1C05  }
0xbf: {  	[timem:s3], [sflag:s2] =	dma.local @!p0 [hbm:s0], s1  }
0xc0: {  	s0 =	simm.s32 @!p0 $0x5  }
0xc1: {  	_ =	swait.ge @!p0 [sflag:s0], s1  }
0xc2: {  	s1 =	ssub.s32 @!p0 $0x0, s1;
	[sflag:s0] =	ssyncset.done @!p0 $0x0  }
0xc3: {  	[sflag:s0] =	ssyncadd.s32 @!p0 s1  }
0xc4: {  	[bflag:$0x3] =	sbarrier.arrive $0xFFFF  }
0xc5: {  	_ =	shalt  }

// kernel: kernel.14.cloned.1.call-start
scs
__scs_entry_jumppad:
0x0: {  	(pc) =	sbr.rel $0x88, $3  }
0x1: {  	(tag) =	ssettag $0x0;
	lr =	simm.s32 $0x1  }
0x2: {  	[smem:$0x3F9B] =	sst lr;
	_ =	strace $0xD0000000  }
0x3: {  	_ = 	snop  }
0x4: {  	_ = 	snop  }
0x5: {  	_ = 	snop  }
0x6: {  	_ = 	snop  }
0x7: {  	_ = 	snop  }
__scs_overlays_trampoline_lowered:
0x8: {  	[smem:$0x3FAA] =	sst s0  }
0x9: {  	[smem:$0x3FAB] =	sst s1  }
0xa: {  	[smem:$0x3FAC] =	sst s2  }
0xb: {  	[smem:$0x3FAD] =	sst s3  }
0xc: {  	[smem:$0x3FAE] =	sst s4  }
0xd: {  	[smem:$0x3FAF] =	sst s5  }
0xe: {  	[smem:$0x3FB0] =	sst s6  }
0xf: {  	[smem:$0x3FB1] =	sst s7  }
0x10: {  	[smem:$0x3FB2] =	sst s8  }
0x11: {  	[smem:$0x3FB3] =	sst s9;
	s0 =	simm.s32 @!p0 $0x0  }
0x12: {  	s1 =	sld [smem:$0x3F99];
	s0 =	simm.s32 @p0 $0x1  }
0x13: {  	[smem:$0x3FB4] =	sst s0;
	s0 =	simm.s32 @!p1 $0x0  }
0x14: {  	s2 =	sld [smem:$0x3F98];
	s0 =	simm.s32 @p1 $0x1  }
0x15: {  	[smem:$0x3FB5] =	sst s0;
	s0 =	simm.s32 @!p2 $0x0  }
0x16: {  	s3 =	sld [smem:$0x3FDB];
	s0 =	simm.s32 @p2 $0x1  }
0x17: {  	s4 =	simm.s32 $0x1BF5;
	[smem:$0x3FB7] =	sst s0  }
0x18: {  	s0 =	sld [smem:$0x3F9A];
	_ =	swait.ge [sflag:s4], $0x0  }
0x19: {  	s7 =	sld [smem:$0x3F9B]  }
0x1a: {  	s8 =	sadd.s32 $0xFFFFE003, lr  }
0x1b: {  	s9 =	sadd.s32 $0xFFFFFEF7, lr;
	s5 =	simm.s32 $0xFFFFFFFF;
	p2 =	slt.u32 s8, $0xFFFFF086  }
0x1c: {  	p1 =	slt.u32 s9, $0xF7A;
	s5 =	simm.s32 @!p2 $0x0  }
0x1d: {  	s5 =	simm.s32 @p1 $0x1;
	p0 =	seq.s32 s7, s2  }
0x1e: {  	s7 =	smul.u32 @!p0 $0xF7A, s2;
	p2 =	seq.s32 @!p0 s5, $0x0  }
0x1f: {  	s9 =	smul.u32 $0xF7A, s1;
	s8 =	simm.s32 @!p0 $0x1BF5;
	p2 =	por !p2, p0  }
0x20: {  	[sflag:s8] =	ssyncset.s32 @!p0 $0xFFFFF086;
	s6 =	sadd.s32 @!p0 s3, s7;
	s7 =	simm.s32 @!p0 $0x108  }
0x21: {  	s3 =	sadd.s32 s3, s9;
	s6 =	sadd.s32 @!p0 $0x88, s6;
	s7 =	simm.s32 @p2 $0x1082  }
0x22: {  	[simem:s7], [sflag:s8] =	dma.local @!p0 [hbm:s6], $0xF7A  }
0x23: {  	s9 =	sor.u32 $0xD0000000, s2;
	s6 =	simm.s32 $0x108;
	_ =	swait.ge @!p0 [sflag:s8], $0x0  }
0x24: {  	s3 =	sadd.s32 $0x88, s3;
	s6 =	simm.s32 @!p1 $0x1082;
	[sflag:s4] =	ssyncset.s32 $0xFFFFF086  }
0x25: {  	[simem:s6], [sflag:s4] =	dma.local [hbm:s3], $0xF7A  }
0x26: {  	[smem:$0x3F9B] =	sst s1;
	(tag) =	ssettag s2;
	_ =	strace s9  }
0x27: {  	s1 =	sld [smem:$0x3FAB]  }
0x28: {  	s2 =	sld [smem:$0x3FAC]  }
0x29: {  	s4 =	sld [smem:$0x3FAE]  }
0x2a: {  	p0 =	seq.s32 s5, $0x0;
	s5 =	sld [smem:$0x3FAF]  }
0x2b: {  	s6 =	sld [smem:$0x3FB0]  }
0x2c: {  	s7 =	sld [smem:$0x3FB1]  }
0x2d: {  	s3 =	simm.s32 $0x108;
	s8 =	sld [smem:$0x3FB2]  }
0x2e: {  	s3 =	simm.s32 @!p0 $0x1082;
	s9 =	sld [smem:$0x3FB3]  }
0x2f: {  	lr =	sadd.s32 s0, s3;
	s0 =	sld [smem:$0x3FAA]  }
0x30: {  	s3 =	sld [smem:$0x3FAD]  }
0x31: {  	[smem:$0x3FB6] =	sst s10  }
0x32: {  	s10 =	sld [smem:$0x3FB4];
	_ =	sdelay $0x3  }
0x33: {  	p0 =	seq.s32 s10, $0x1;
	s10 =	sld [smem:$0x3FB6];
	_ =	sdelay $0x3  }
0x34: {  	[smem:$0x3FB6] =	sst s10  }
0x35: {  	s10 =	sld [smem:$0x3FB5];
	_ =	sdelay $0x3  }
0x36: {  	p1 =	seq.s32 s10, $0x1;
	s10 =	sld [smem:$0x3FB6];
	_ =	sdelay $0x3  }
0x37: {  	[smem:$0x3FB6] =	sst s10  }
0x38: {  	s10 =	sld [smem:$0x3FB7]  }
0x39: {  	_ = 	snop;
	(pc) =	sbr.ind lr, $3  }
0x3a: {  	_ = 	snop  }
0x3b: {  	_ = 	snop  }
0x3c: {  	p2 =	seq.s32 s10, $0x1;
	s10 =	sld [smem:$0x3FB6]  }
0x3d: {  	_ =	shalt  }
0x3e: {  	_ =	shalt  }
0x3f: {  	_ =	shalt  }
0x40: {  	_ =	shalt  }
0x41: {  	_ =	shalt  }
0x42: {  	_ =	shalt  }
0x43: {  	_ =	shalt  }
0x44: {  	_ =	shalt  }
0x45: {  	_ =	shalt  }
0x46: {  	_ =	shalt  }
0x47: {  	_ =	shalt  }
0x48: {  	_ =	shalt  }
0x49: {  	_ =	shalt  }
0x4a: {  	_ =	shalt  }
0x4b: {  	_ =	shalt  }
0x4c: {  	_ =	shalt  }
0x4d: {  	_ =	shalt  }
0x4e: {  	_ =	shalt  }
0x4f: {  	_ =	shalt  }
0x50: {  	_ =	shalt  }
0x51: {  	_ =	shalt  }
0x52: {  	_ =	shalt  }
0x53: {  	_ =	shalt  }
0x54: {  	_ =	shalt  }
0x55: {  	_ =	shalt  }
0x56: {  	_ =	shalt  }
0x57: {  	_ =	shalt  }
0x58: {  	_ =	shalt  }
0x59: {  	_ =	shalt  }
0x5a: {  	_ =	shalt  }
0x5b: {  	_ =	shalt  }
0x5c: {  	_ =	shalt  }
0x5d: {  	_ =	shalt  }
0x5e: {  	_ =	shalt  }
0x5f: {  	_ =	shalt  }
0x60: {  	_ =	shalt  }
0x61: {  	_ =	shalt  }
0x62: {  	_ =	shalt  }
0x63: {  	_ =	shalt  }
0x64: {  	_ =	shalt  }
0x65: {  	_ =	shalt  }
0x66: {  	_ =	shalt  }
0x67: {  	_ =	shalt  }
0x68: {  	_ =	shalt  }
0x69: {  	_ =	shalt  }
0x6a: {  	_ =	shalt  }
0x6b: {  	_ =	shalt  }
0x6c: {  	_ =	shalt  }
0x6d: {  	_ =	shalt  }
0x6e: {  	_ =	shalt  }
0x6f: {  	_ =	shalt  }
0x70: {  	_ =	shalt  }
0x71: {  	_ =	shalt  }
0x72: {  	_ =	shalt  }
0x73: {  	_ =	shalt  }
0x74: {  	_ =	shalt  }
0x75: {  	_ =	shalt  }
0x76: {  	_ =	shalt  }
0x77: {  	_ =	shalt  }
0x78: {  	_ =	shalt  }
0x79: {  	_ =	shalt  }
0x7a: {  	_ =	shalt  }
0x7b: {  	_ =	shalt  }
0x7c: {  	_ =	shalt  }
0x7d: {  	_ =	shalt  }
0x7e: {  	_ =	shalt  }
0x7f: {  	_ =	shalt  }
0x80: {  	_ =	shalt  }
0x81: {  	_ =	shalt  }
0x82: {  	_ =	shalt  }
0x83: {  	_ =	shalt  }
0x84: {  	_ =	shalt  }
0x85: {  	_ =	shalt  }
0x86: {  	_ =	shalt  }
0x87: {  	_ =	shalt  }
.Lfunc_end0:
.L_simem_size_0:
called_computation.2_lowered:
.L_overlay_start_0:
0x88: {  	s2 =	sld [smem:$0x3FD9]  }
0x89: {  	s3 =	sld [smem:$0x3FFE];
	_ =	sdelay $0x1  }
0x8a: {  	s1 =	srdreg.scid  }
0x8b: {  	s0 =	sand.u32 $0x1, s1  }
0x8c: {  	s17 =	sshll.u32 s0, $0xA;
	s2 =	sadd.s32 s3, s2  }
0x8d: {  	s2 =	sadd.s32 s2, s17  }
0x8e: {  	[smem:$0x3FC2] =	sst s2  }
0x8f: {  	_ = 	snop  }
0x90: {  	s2 =	sld [smem:$0x3FD0];
	(tm) =	ssettm $0x1  }
0x91: {  	s18 =	sld [smem:$0x3FFB];
	_ =	sdelay $0x3  }
0x92: {  	_ =	strace s18  }
0x93: {  	s3 =	sld [smem:$0x3FFC];
	_ =	sdelay $0x3  }
0x94: {  	_ =	strace s3  }
0x95: {  	s3 =	sld [smem:$0x3FFD];
	_ =	sdelay $0x3  }
0x96: {  	_ =	strace s3  }
0x97: {  	_ =	strace $0x8FFFFFFF  }
0x98: {  	s19 =	sld [smem:$0x3FDB];
	_ =	sdelay $0x1  }
0x99: {  	s4 =	simm.s32 $_scs_section_size  }
0x9a: {  	s5 =	simm.s32 $_size__tile_overlayer_lowered;
	s6 =	simm.s32 $_tile_overlayer_lowered  }
0x9b: {  	s22 =	simm.s32 $0x1BFF;
	s21 =	sshll.u32 s6, $0x1;
	s3 =	sadd.s32 s4, s19  }
0x9c: {  	s7 =	simm.s32 $0x0;
	s20 =	sshll.u32 s5, $0x1;
	s5 =	sadd.s32 s21, s3  }
0x9d: {  	[timem:s7], [sflag:s22] =	dma.local [hbm:s5], s20  }
0x9e: {  	_ =	swait.ge [sflag:s22], s20  }
0x9f: {  	s4 =	ssub.s32 $0x0, s20;
	[sflag:s22] =	ssyncset.done $0x0  }
0xa0: {  	[sflag:s22] =	ssyncadd.s32 s4;
	_ =	sdelay $0x1  }
0xa1: {  	s23 =	simm.s32 $0x1B8B  }
0xa2: {  	_ =	swait.ge [sflag:s23], $0x1  }
0xa3: {  	[sflag:s23] =	ssyncset.done $0x0  }
0xa4: {  	s25 =	simm.s32 $0x1B8E;
	s24 =	sld [smem:$0x3FFE];
	[sflag:s23] =	ssyncadd.s32 $0xFFFFFFFF  }
0xa5: {  	s26 =	simm.s32 $execute0_lowered;
	[smem:$0x3FD2] =	sst s25  }
0xa6: {  	s5 =	sshll.u32 s26, $0x1;
	_ =	strace $0x8000004C;
	[dreg:$0x1] =	wrdreg $0xFFFFFFFF  }
0xa7: {  	s28 =	simm.s32 $_size_execute0_lowered;
	s3 =	sadd.s32 s3, s5;
	[dreg:$0x0] =	wrdreg $0x0  }
0xa8: {  	s5 =	sshll.u32 s28, $0x1;
	[dreg:$0x2] =	wrdreg s3  }
0xa9: {  	[dreg:$0x3] =	wrdreg s5  }
0xaa: {  	[dreg:$0x4] =	wrdreg $0xC0  }
0xab: {  	_ =	task [dreg:s7], $0x5FFFF  }
0xac: {  	[dreg:$0x1] =	wrdreg $0xFFFFFFFF  }
0xad: {  	[dreg:$0x0] =	wrdreg $0x60  }
0xae: {  	[dreg:$0x2] =	wrdreg s24  }
0xaf: {  	[dreg:$0x3] =	wrdreg s2  }
0xb0: {  	[dreg:$0x4] =	wrdreg $0xA8000  }
0xb1: {  	[dreg:$0x5] =	wrdreg $0x9  }
0xb2: {  	_ =	task.clear_ibuf [dreg:s7], $0x6FFFF;
	_ =	strace $0x9000004C  }
0xb3: {  	s29 =	simm.s32 $0x9;
	_ =	strace $0x8000004E  }
0xb4: {  	_ =	swait.ge [sflag:s29], $0x1  }
0xb5: {  	[sflag:s29] =	ssyncadd.s32 $0xFFFFFFFF  }
0xb6: {  	_ =	strace $0x9000004E  }
0xb7: {  	_ =	sfence  }
0xb8: {  	s30 =	sld [smem:$0x0];
	_ =	sdelay $0x2  }
0xb9: {  	s31 =	sshll.u32 s1, $0xD;
	s1 =	sshrl.u32 s1, $0x2  }
0xba: {  	s3 =	sand.u32 $0x4000, s31;
	s1 =	sadd.s32 s1, s30  }
0xbb: {  	s0 =	sor.u32 s3, s0;
	s1 =	sshll.u32 s1, $0x11  }
0xbc: {  	s0 =	sor.u32 s1, s0  }
0xbd: {  	s0 =	sadd.s32 $0x8F2B, s0  }
0xbe: {  	[sflag:s0] =	ssyncadd.remote.s32 $0x1  }
0xbf: {  	_ =	sfence.sel $0xFFFF  }
0xc0: {  	[dreg:$0x0] =	wrdreg $0xFFFFFFFF;
	(pc) =	sbr.abs _section_cstart, $3  }
0xc1: {  	[dreg:$0x1] =	wrdreg $0xFFFFFFFF  }
0xc2: {  	_ =	task.clear_ibuf [dreg:s7], $0x2FFFF;
	_ =	strace $0x9FFFFFFF  }
0xc3: {  	(tm) =	ssettm $0x7FFFFFFF  }
tec
execute0_lowered:
.L_overlay_start_1:
0x0: {  	(tag) =	ssettag $0x1  }
0x1: {  	s5 =	rddreg [dreg:$0x0]  }
0x2: {  	s8 =	rddreg [dreg:$0x1]  }
0x3: {  	s1 =	rddreg [dreg:$0x2]  }
0x4: {  	s0 =	rddreg [dreg:$0x3];
	s2 =	simm.s32 $0x0;
	s3 =	srdreg.scid  }
0x5: {  	s16 =	simm.s32 $0x2800;
	s17 =	simm.s32 $0x5;
	s18 =	simm.s32 $0x1400  }
0x6: {  	s19 =	simm.s32 $0x80;
	s20 =	simm.s32 $0x6800;
	s21 =	simm.s32 $0x1  }
0x7: {  	s22 =	simm.s32 $0x3;
	s23 =	simm.s32 $0x2;
	s24 =	simm.s32 $0x4  }
0x8: {  	[smem:$0x7FF] =	sst s2;
	s6 =	sand.u32 $0x1, s3;
	s4 =	sadd.s32 $0xCC00, s5  }
0x9: {  	s3 =	stileid.u32;
	s12 =	sadd.s32 $0x2C00, s5;
	s7 =	smul.u32 $0x28000, s6  }
0xa: {  	s9 =	smul.u32 $0x2800, s3;
	s10 =	sshll.u32 s6, $0x5;
	s11 =	sshll.u32 s3, $0x1  }
0xb: {  	s13 =	smul.u32 $0x50000, s3;
	s6 =	ssub.s32 $0x2, s6;
	s10 =	sor.u32 s11, s10  }
0xc: {  	_ =	strace $0x8000004D;
	s29 =	sshrl.u32 s6, $0x1;
	s26 =	smul.u32 $0x1400, s10  }
0xd: {  	s7 =	sadd.s32 s9, s7;
	s30 =	smul.u32 $0x280, s10;
	s31 =	sshrl.u32 s13, $0x2  }
0xe: {  	s14 =	ssub.s32 s6, s29;
	s28 =	sadd.s32 s7, s5;
	s5 =	sadd.s32 s31, s1  }
0xf: {  	s11 =	smax.u32 s14, $0x1;
	s9 =	sshrl.u32 s26, $0x3;
	s6 =	sadd.s32 s8, s30  }
0x10: {  	s7 =	sadd.s32 s12, s30;
	s10 =	sadd.s32 $0x34C00, s28;
	s13 =	sadd.s32 $0x8000, s5  }
0x11: {  	s14 =	sadd.s32 $0xC000, s5;
	s15 =	sadd.s32 $0x10000, s5;
	s9 =	sadd.s32 $0x280, s9  }
0x12: {  	v0 =	vimm.f32 $0.0e+00;
	s8 =	sadd.s32 s8, s9;
	s9 =	sadd.s32 s12, s9;
	s12 =	sadd.s32 $0x4000, s5  }
.LBB2_1:
0x13: {  	s25 =	simm.s32 $0x0;
	s26 =	simm.s32 $0x200  }
.LBB2_2:
0x14: {  	p0 =	sne.s32 s26, $0xFE00;
	[tilespmem:s25+$0x2870] =	vst v0  }
0x15: {  	[tilespmem:s25+$0x2800] =	vst v0  }
0x16: {  	[tilespmem:s25+$0x2810] =	vst v0  }
.Ltmp0:
0x17: {  	[tilespmem:s25+$0x2820] =	vst v0;
	(pc) =	sbr.rel @p0 .LBB2_2-.Ltmp0, $4  }
0x18: {  	[tilespmem:s25+$0x2830] =	vst v0  }
0x19: {  	[tilespmem:s25+$0x2840] =	vst v0  }
0x1a: {  	[tilespmem:s25+$0x2850] =	vst v0  }
0x1b: {  	[tilespmem:s25+$0x2860] =	vst v0;
	s25 =	sshra.s32 s26, $0x2;
	s26 =	sadd.s32 $0x200, s26  }
0x1c: {  	[tilespmem:s25+$0x2870] =	vst v0  }
0x1d: {  	[tilespmem:s25+$0x2800] =	vst v0  }
0x1e: {  	[tilespmem:s25+$0x2810] =	vst v0  }
0x1f: {  	[tilespmem:s25+$0x2820] =	vst v0  }
0x20: {  	[tilespmem:s25+$0x2830] =	vst v0  }
0x21: {  	[tilespmem:s25+$0x2840] =	vst v0  }
0x22: {  	[tilespmem:s25+$0x2850] =	vst v0  }
0x23: {  	[tilespmem:s25+$0x2860] =	vst v0  }
0x24: {  	[spmem:s5] =	stream.linear.scatter [tilespmem:s16], [sflag:$0x5], $0x4000, $0x38;
	[tilespmem:$0x1E800] =	vst v63  }
0x25: {  	_ =	swait.ge [sflag:s17], $0x4000  }
0x26: {  	[sflag:s17] =	ssyncset.done $0x0  }
0x27: {  	[sflag:s17] =	ssyncadd.s32 $0xFFFFC000  }
0x28: {  	[spmem:s12] =	stream.linear.scatter [tilespmem:s16], [sflag:$0x5], $0x4000, $0x38;
	[tilespmem:$0x1E800] =	vst v63  }
0x29: {  	_ =	swait.ge [sflag:s17], $0x4000  }
0x2a: {  	[sflag:s17] =	ssyncset.done $0x0  }
0x2b: {  	[sflag:s17] =	ssyncadd.s32 $0xFFFFC000  }
0x2c: {  	[spmem:s13] =	stream.linear.scatter [tilespmem:s16], [sflag:$0x5], $0x4000, $0x38;
	[tilespmem:$0x1E800] =	vst v63  }
0x2d: {  	_ =	swait.ge [sflag:s17], $0x4000  }
0x2e: {  	[sflag:s17] =	ssyncset.done $0x0  }
0x2f: {  	[sflag:s17] =	ssyncadd.s32 $0xFFFFC000  }
0x30: {  	[spmem:s14] =	stream.linear.scatter [tilespmem:s16], [sflag:$0x5], $0x4000, $0x38;
	[tilespmem:$0x1E800] =	vst v63  }
0x31: {  	_ =	swait.ge [sflag:s17], $0x4000  }
0x32: {  	[sflag:s17] =	ssyncset.done $0x0  }
0x33: {  	[sflag:s17] =	ssyncadd.s32 $0xFFFFC000  }
0x34: {  	[spmem:s15] =	stream.linear.scatter [tilespmem:s16], [sflag:$0x5], $0x4000, $0x38;
	[tilespmem:$0x1E800] =	vst v63  }
0x35: {  	_ =	swait.ge [sflag:s17], $0x4000  }
0x36: {  	[sflag:s17] =	ssyncset.done $0x0  }
0x37: {  	[sflag:s17] =	ssyncadd.s32 $0xFFFFC000  }
0x38: {  	s26 =	simm.s32 $0x0;
	[bflag:$0x0] =	sbarrier.arrive $0xFFFF  }
0x39: {  	[tilespmem:s26], [sflag:$0x5] =	stream.linear.gather [hbm4b:s6+s26], $0x1400, $0x38;
	[tilespmem:$0x1E800] =	vst v63  }
0x3a: {  	_ =	swait.ge [sflag:s17], $0x1400  }
0x3b: {  	[sflag:s17] =	ssyncset.done $0x0  }
0x3c: {  	[sflag:s17] =	ssyncadd.s32 $0xFFFFEC00  }
0x3d: {  	[tilespmem:s18], [sflag:$0x5] =	stream.linear.gather [hbm4b:s7+s26], $0x1400, $0x38;
	[tilespmem:$0x1E800] =	vst v63  }
0x3e: {  	_ =	swait.ge [sflag:s17], $0x1400  }
0x3f: {  	[sflag:s17] =	ssyncset.done $0x0  }
0x40: {  	s28 =	simm.s32 $0x0;
	[sflag:s17] =	ssyncadd.s32 $0xFFFFEC00  }
0x41: {  	[tilespmem:s16], [sflag:$0x1] =	stream.indirect.gather [hbm4b:s4+s19], $0x80, s28, s19, $0xb8;
	[tilespmem:$0x1E800] =	vst v63  }
0x42: {  	s29 =	simm.s32 $0x80  }
0x43: {  	[tilespmem:s20], [sflag:$0x3] =	stream.indirect.gather [hbm4b:s4+s19], $0x80, s29, s19, $0xb8;
	[tilespmem:$0x1E800] =	vst v63  }
0x44: {  	_ =	swait.ge [sflag:s21], $0x4000  }
0x45: {  	[sflag:s21] =	ssyncset.done $0x0  }
0x46: {  	s30 =	simm.s32 $0x1400;
	[sflag:s21] =	ssyncadd.s32 $0xFFFFC000  }
0x47: {  	[spmem:s1] =	stream.indirect.scatter.add.f32 [tilespmem:s16], [sflag:$0x2], $0x80, s30, s19, $0xb8;
	[tilespmem:$0x1E800] =	vst v63  }
0x48: {  	_ =	swait.ge [sflag:s22], $0x4000  }
0x49: {  	[sflag:s22] =	ssyncset.done $0x0  }
0x4a: {  	s31 =	simm.s32 $0x1480;
	[sflag:s22] =	ssyncadd.s32 $0xFFFFC000  }
0x4b: {  	[spmem:s1] =	stream.indirect.scatter.add.f32 [tilespmem:s20], [sflag:$0x4], $0x80, s31, s19, $0xb8;
	[tilespmem:$0x1E800] =	vst v63  }
0x4c: {  	_ =	swait.ge [sflag:s23], $0x4000  }
0x4d: {  	[sflag:s23] =	ssyncset.done $0x0  }
0x4e: {  	[sflag:s23] =	ssyncadd.s32 $0xFFFFC000  }
0x4f: {  	_ =	swait.ge [sflag:s24], $0x4000  }
0x50: {  	s25 =	simm.s32 $0x400;
	s26 =	simm.s32 $0x800;
	[sflag:s24] =	ssyncset.done $0x0  }
.LBB2_4:
0x51: {  	s28 =	sshra.s32 s25, $0x2  }
0x52: {  	[sflag:s24] =	ssyncadd.s32 $0xFFFFC000;
	s25 =	smov.u32 s26;
	s29 =	sadd.s32 $0x400, s26  }
0x53: {  	[tilespmem:s16], [sflag:$0x1] =	stream.indirect.gather [hbm4b:s4+s19], $0x80, s28, s19, $0xb8;
	[tilespmem:$0x1E800] =	vst v63  }
0x54: {  	p0 =	sne.s32 s26, $0x4C00;
	s26 =	sadd.s32 $0x80, s28  }
0x55: {  	[tilespmem:s20], [sflag:$0x3] =	stream.indirect.gather [hbm4b:s4+s19], $0x80, s26, s19, $0xb8;
	[tilespmem:$0x1E800] =	vst v63  }
0x56: {  	_ =	swait.ge [sflag:s21], $0x4000  }
0x57: {  	[sflag:s21] =	ssyncset.done $0x0  }
0x58: {  	s26 =	sadd.s32 $0x1400, s28;
	[sflag:s21] =	ssyncadd.s32 $0xFFFFC000  }
0x59: {  	[spmem:s1] =	stream.indirect.scatter.add.f32 [tilespmem:s16], [sflag:$0x2], $0x80, s26, s19, $0xb8;
	[tilespmem:$0x1E800] =	vst v63  }
0x5a: {  	_ =	swait.ge [sflag:s22], $0x4000  }
0x5b: {  	[sflag:s22] =	ssyncset.done $0x0  }
0x5c: {  	s26 =	sadd.s32 $0x1480, s28;
	[sflag:s22] =	ssyncadd.s32 $0xFFFFC000  }
0x5d: {  	[spmem:s1] =	stream.indirect.scatter.add.f32 [tilespmem:s20], [sflag:$0x4], $0x80, s26, s19, $0xb8;
	[tilespmem:$0x1E800] =	vst v63  }
.Ltmp1:
0x5e: {  	_ =	swait.ge [sflag:s23], $0x4000;
	(pc) =	sbr.rel @p0 .LBB2_4-.Ltmp1, $4  }
0x5f: {  	[sflag:s23] =	ssyncset.done $0x0  }
0x60: {  	[sflag:s23] =	ssyncadd.s32 $0xFFFFC000  }
0x61: {  	_ =	swait.ge [sflag:s24], $0x4000  }
0x62: {  	s26 =	smov.u32 s29;
	[sflag:s24] =	ssyncset.done $0x0  }
0x63: {  	s25 =	sshra.s32 s25, $0x2;
	[sflag:s24] =	ssyncadd.s32 $0xFFFFC000  }
0x64: {  	[tilespmem:s16], [sflag:$0x1] =	stream.indirect.gather [hbm4b:s4+s19], $0x80, s25, s19, $0xb8;
	[tilespmem:$0x1E800] =	vst v63  }
0x65: {  	s26 =	sadd.s32 $0x80, s25  }
0x66: {  	[tilespmem:s20], [sflag:$0x3] =	stream.indirect.gather [hbm4b:s4+s19], $0x80, s26, s19, $0xb8;
	[tilespmem:$0x1E800] =	vst v63  }
0x67: {  	_ =	swait.ge [sflag:s21], $0x4000  }
0x68: {  	[sflag:s21] =	ssyncset.done $0x0  }
0x69: {  	s31 =	sadd.s32 $0x1400, s25;
	[sflag:s21] =	ssyncadd.s32 $0xFFFFC000  }
0x6a: {  	[spmem:s1] =	stream.indirect.scatter.add.f32 [tilespmem:s16], [sflag:$0x2], $0x80, s31, s19, $0xb8;
	[tilespmem:$0x1E800] =	vst v63  }
0x6b: {  	_ =	swait.ge [sflag:s22], $0x4000  }
0x6c: {  	[sflag:s22] =	ssyncset.done $0x0  }
0x6d: {  	s25 =	sadd.s32 $0x1480, s25;
	[sflag:s22] =	ssyncadd.s32 $0xFFFFC000  }
0x6e: {  	[spmem:s1] =	stream.indirect.scatter.add.f32 [tilespmem:s20], [sflag:$0x4], $0x80, s25, s19, $0xb8;
	[tilespmem:$0x1E800] =	vst v63  }
0x6f: {  	_ =	swait.ge [sflag:s23], $0x4000  }
0x70: {  	[sflag:s23] =	ssyncset.done $0x0  }
0x71: {  	[sflag:s23] =	ssyncadd.s32 $0xFFFFC000  }
0x72: {  	_ =	swait.ge [sflag:s24], $0x4000  }
0x73: {  	[sflag:s24] =	ssyncset.done $0x0  }
0x74: {  	s26 =	simm.s32 $0x0;
	[sflag:s24] =	ssyncadd.s32 $0xFFFFC000  }
0x75: {  	[tilespmem:s26], [sflag:$0x5] =	stream.linear.gather [hbm4b:s8+s26], $0x1400, $0x38;
	[tilespmem:$0x1E800] =	vst v63  }
0x76: {  	_ =	swait.ge [sflag:s17], $0x1400  }
0x77: {  	[sflag:s17] =	ssyncset.done $0x0  }
0x78: {  	[sflag:s17] =	ssyncadd.s32 $0xFFFFEC00  }
0x79: {  	[tilespmem:s18], [sflag:$0x5] =	stream.linear.gather [hbm4b:s9+s26], $0x1400, $0x38;
	[tilespmem:$0x1E800] =	vst v63  }
0x7a: {  	_ =	swait.ge [sflag:s17], $0x1400  }
0x7b: {  	[sflag:s17] =	ssyncset.done $0x0  }
0x7c: {  	s28 =	simm.s32 $0x0;
	[sflag:s17] =	ssyncadd.s32 $0xFFFFEC00  }
0x7d: {  	[tilespmem:s16], [sflag:$0x1] =	stream.indirect.gather [hbm4b:s4+s19], $0x80, s28, s19, $0xb8;
	[tilespmem:$0x1E800] =	vst v63  }
0x7e: {  	s29 =	simm.s32 $0x80  }
0x7f: {  	[tilespmem:s20], [sflag:$0x3] =	stream.indirect.gather [hbm4b:s4+s19], $0x80, s29, s19, $0xb8;
	[tilespmem:$0x1E800] =	vst v63  }
0x80: {  	_ =	swait.ge [sflag:s21], $0x4000  }
0x81: {  	[sflag:s21] =	ssyncset.done $0x0  }
0x82: {  	s30 =	simm.s32 $0x1400;
	[sflag:s21] =	ssyncadd.s32 $0xFFFFC000  }
0x83: {  	[spmem:s1] =	stream.indirect.scatter.add.f32 [tilespmem:s16], [sflag:$0x2], $0x80, s30, s19, $0xb8;
	[tilespmem:$0x1E800] =	vst v63  }
0x84: {  	_ =	swait.ge [sflag:s22], $0x4000  }
0x85: {  	[sflag:s22] =	ssyncset.done $0x0  }
0x86: {  	s31 =	simm.s32 $0x1480;
	[sflag:s22] =	ssyncadd.s32 $0xFFFFC000  }
0x87: {  	[spmem:s1] =	stream.indirect.scatter.add.f32 [tilespmem:s20], [sflag:$0x4], $0x80, s31, s19, $0xb8;
	[tilespmem:$0x1E800] =	vst v63  }
0x88: {  	_ =	swait.ge [sflag:s23], $0x4000  }
0x89: {  	[sflag:s23] =	ssyncset.done $0x0  }
0x8a: {  	[sflag:s23] =	ssyncadd.s32 $0xFFFFC000  }
0x8b: {  	_ =	swait.ge [sflag:s24], $0x4000  }
0x8c: {  	s25 =	simm.s32 $0x400;
	s26 =	simm.s32 $0x800;
	[sflag:s24] =	ssyncset.done $0x0  }
.LBB2_6:
0x8d: {  	s28 =	sshra.s32 s25, $0x2  }
0x8e: {  	[sflag:s24] =	ssyncadd.s32 $0xFFFFC000;
	s25 =	smov.u32 s26;
	s29 =	sadd.s32 $0x400, s26  }
0x8f: {  	[tilespmem:s16], [sflag:$0x1] =	stream.indirect.gather [hbm4b:s4+s19], $0x80, s28, s19, $0xb8;
	[tilespmem:$0x1E800] =	vst v63  }
0x90: {  	p0 =	sne.s32 s26, $0x4C00;
	s26 =	sadd.s32 $0x80, s28  }
0x91: {  	[tilespmem:s20], [sflag:$0x3] =	stream.indirect.gather [hbm4b:s4+s19], $0x80, s26, s19, $0xb8;
	[tilespmem:$0x1E800] =	vst v63  }
0x92: {  	_ =	swait.ge [sflag:s21], $0x4000  }
0x93: {  	[sflag:s21] =	ssyncset.done $0x0  }
0x94: {  	s26 =	sadd.s32 $0x1400, s28;
	[sflag:s21] =	ssyncadd.s32 $0xFFFFC000  }
0x95: {  	[spmem:s1] =	stream.indirect.scatter.add.f32 [tilespmem:s16], [sflag:$0x2], $0x80, s26, s19, $0xb8;
	[tilespmem:$0x1E800] =	vst v63  }
0x96: {  	_ =	swait.ge [sflag:s22], $0x4000  }
0x97: {  	[sflag:s22] =	ssyncset.done $0x0  }
0x98: {  	s26 =	sadd.s32 $0x1480, s28;
	[sflag:s22] =	ssyncadd.s32 $0xFFFFC000  }
0x99: {  	[spmem:s1] =	stream.indirect.scatter.add.f32 [tilespmem:s20], [sflag:$0x4], $0x80, s26, s19, $0xb8;
	[tilespmem:$0x1E800] =	vst v63  }
.Ltmp2:
0x9a: {  	_ =	swait.ge [sflag:s23], $0x4000;
	(pc) =	sbr.rel @p0 .LBB2_6-.Ltmp2, $4  }
0x9b: {  	[sflag:s23] =	ssyncset.done $0x0  }
0x9c: {  	[sflag:s23] =	ssyncadd.s32 $0xFFFFC000  }
0x9d: {  	_ =	swait.ge [sflag:s24], $0x4000  }
0x9e: {  	s26 =	smov.u32 s29;
	[sflag:s24] =	ssyncset.done $0x0  }
0x9f: {  	s25 =	sshra.s32 s25, $0x2;
	[sflag:s24] =	ssyncadd.s32 $0xFFFFC000  }
0xa0: {  	[tilespmem:s16], [sflag:$0x1] =	stream.indirect.gather [hbm4b:s4+s19], $0x80, s25, s19, $0xb8;
	[tilespmem:$0x1E800] =	vst v63  }
0xa1: {  	s26 =	sadd.s32 $0x80, s25  }
0xa2: {  	[tilespmem:s20], [sflag:$0x3] =	stream.indirect.gather [hbm4b:s4+s19], $0x80, s26, s19, $0xb8;
	[tilespmem:$0x1E800] =	vst v63  }
0xa3: {  	_ =	swait.ge [sflag:s21], $0x4000  }
0xa4: {  	[sflag:s21] =	ssyncset.done $0x0  }
0xa5: {  	s29 =	sadd.s32 $0x1400, s25;
	[sflag:s21] =	ssyncadd.s32 $0xFFFFC000  }
0xa6: {  	[spmem:s1] =	stream.indirect.scatter.add.f32 [tilespmem:s16], [sflag:$0x2], $0x80, s29, s19, $0xb8;
	[tilespmem:$0x1E800] =	vst v63  }
0xa7: {  	_ =	swait.ge [sflag:s22], $0x4000  }
0xa8: {  	[sflag:s22] =	ssyncset.done $0x0  }
0xa9: {  	s25 =	sadd.s32 $0x1480, s25;
	[sflag:s22] =	ssyncadd.s32 $0xFFFFC000  }
0xaa: {  	[spmem:s1] =	stream.indirect.scatter.add.f32 [tilespmem:s20], [sflag:$0x4], $0x80, s25, s19, $0xb8;
	[tilespmem:$0x1E800] =	vst v63  }
0xab: {  	_ =	swait.ge [sflag:s23], $0x4000  }
0xac: {  	[sflag:s23] =	ssyncset.done $0x0  }
0xad: {  	[sflag:s23] =	ssyncadd.s32 $0xFFFFC000  }
0xae: {  	_ =	swait.ge [sflag:s24], $0x4000  }
0xaf: {  	s30 =	sshll.u32 s3, $0x6;
	s2 =	sadd.s32 $0x1, s2;
	[sflag:s24] =	ssyncset.done $0x0  }
0xb0: {  	s31 =	sshrl.u32 s5, $0x3;
	p0 =	sne.s32 s2, s11;
	[sflag:s24] =	ssyncadd.s32 $0xFFFFC000  }
.Ltmp3:
0xb1: {  	s25 =	sor.u32 $0x1C05, s30;
	[bflag:$0x0] =	sbarrier.arrive $0xFFFF;
	(pc) =	sbr.rel @p0 .LBB2_1-.Ltmp3, $4  }
0xb2: {  	[hbm:s10], [sflag:s25] =	dma.local [spmem:s31], $0x2800  }
0xb3: {  	_ =	swait.ge [sflag:s17], $0x2800  }
0xb4: {  	[sflag:s17] =	ssyncset.done $0x0  }
0xb5: {  	[sflag:s17] =	ssyncadd.s32 $0xFFFFD800  }
0xb6: {  	_ =	sfence.sel $0x180000  }
0xb7: {  	[bflag:$0x0] =	sbarrier.arrive $0xFFFF  }
0xb8: {  	p0 =	sne.s32 s3, $0x0;
	_ =	strace $0x9000004D  }
0xb9: {  	s0 =	sadd.s32 @!p0 $0x100000, s0;
	[bflag:$0x2] =	sbarrier.arrive $0xFFFF  }
0xba: {  	[sflag:s0] =	ssyncadd.tile.s32 @!p0 $0x1;
	_ =	shalt  }
.Lfunc_end2:
_tile_overlayer_lowered:
.L_overlay_start_2:
0xbb: {  	(tag) =	ssettag $0x2  }
0xbc: {  	s0 =	rddreg [dreg:$0x0];
	s2 =	stileid.u32  }
0xbd: {  	s1 =	rddreg [dreg:$0x1];
	p0 =	sne.s32 s2, $0x0  }
0xbe: {  	s3 =	rddreg [dreg:$0x2];
	[bflag:$0x3] =	sbarrier.arrive $0xFFFF;
	s2 =	simm.s32 @!p0 $0x1C05  }
0xbf: {  	[timem:s3], [sflag:s2] =	dma.local @!p0 [hbm:s0], s1  }
0xc0: {  	s0 =	simm.s32 @!p0 $0x5  }
0xc1: {  	_ =	swait.ge @!p0 [sflag:s0], s1  }
0xc2: {  	s1 =	ssub.s32 @!p0 $0x0, s1;
	[sflag:s0] =	ssyncset.done @!p0 $0x0  }
0xc3: {  	[sflag:s0] =	ssyncadd.s32 @!p0 s1  }
0xc4: {  	[bflag:$0x3] =	sbarrier.arrive $0xFFFF  }
0xc5: {  	_ =	shalt  }

// kernel: kernel.8.cloned.1.call-start
scs
__scs_entry_jumppad:
0x0: {  	(pc) =	sbr.rel $0x88, $3  }
0x1: {  	(tag) =	ssettag $0x0;
	lr =	simm.s32 $0x1  }
0x2: {  	[smem:$0x3F9B] =	sst lr;
	_ =	strace $0xD0000000  }
0x3: {  	_ = 	snop  }
0x4: {  	_ = 	snop  }
0x5: {  	_ = 	snop  }
0x6: {  	_ = 	snop  }
0x7: {  	_ = 	snop  }
__scs_overlays_trampoline_lowered:
0x8: {  	[smem:$0x3FAA] =	sst s0  }
0x9: {  	[smem:$0x3FAB] =	sst s1  }
0xa: {  	[smem:$0x3FAC] =	sst s2  }
0xb: {  	[smem:$0x3FAD] =	sst s3  }
0xc: {  	[smem:$0x3FAE] =	sst s4  }
0xd: {  	[smem:$0x3FAF] =	sst s5  }
0xe: {  	[smem:$0x3FB0] =	sst s6  }
0xf: {  	[smem:$0x3FB1] =	sst s7  }
0x10: {  	[smem:$0x3FB2] =	sst s8  }
0x11: {  	[smem:$0x3FB3] =	sst s9;
	s0 =	simm.s32 @!p0 $0x0  }
0x12: {  	s1 =	sld [smem:$0x3F99];
	s0 =	simm.s32 @p0 $0x1  }
0x13: {  	[smem:$0x3FB4] =	sst s0;
	s0 =	simm.s32 @!p1 $0x0  }
0x14: {  	s2 =	sld [smem:$0x3F98];
	s0 =	simm.s32 @p1 $0x1  }
0x15: {  	[smem:$0x3FB5] =	sst s0;
	s0 =	simm.s32 @!p2 $0x0  }
0x16: {  	s3 =	sld [smem:$0x3FDB];
	s0 =	simm.s32 @p2 $0x1  }
0x17: {  	s4 =	simm.s32 $0x1BF5;
	[smem:$0x3FB7] =	sst s0  }
0x18: {  	s0 =	sld [smem:$0x3F9A];
	_ =	swait.ge [sflag:s4], $0x0  }
0x19: {  	s7 =	sld [smem:$0x3F9B]  }
0x1a: {  	s8 =	sadd.s32 $0xFFFFE003, lr  }
0x1b: {  	s9 =	sadd.s32 $0xFFFFFEF7, lr;
	s5 =	simm.s32 $0xFFFFFFFF;
	p2 =	slt.u32 s8, $0xFFFFF086  }
0x1c: {  	p1 =	slt.u32 s9, $0xF7A;
	s5 =	simm.s32 @!p2 $0x0  }
0x1d: {  	s5 =	simm.s32 @p1 $0x1;
	p0 =	seq.s32 s7, s2  }
0x1e: {  	s7 =	smul.u32 @!p0 $0xF7A, s2;
	p2 =	seq.s32 @!p0 s5, $0x0  }
0x1f: {  	s9 =	smul.u32 $0xF7A, s1;
	s8 =	simm.s32 @!p0 $0x1BF5;
	p2 =	por !p2, p0  }
0x20: {  	[sflag:s8] =	ssyncset.s32 @!p0 $0xFFFFF086;
	s6 =	sadd.s32 @!p0 s3, s7;
	s7 =	simm.s32 @!p0 $0x108  }
0x21: {  	s3 =	sadd.s32 s3, s9;
	s6 =	sadd.s32 @!p0 $0x88, s6;
	s7 =	simm.s32 @p2 $0x1082  }
0x22: {  	[simem:s7], [sflag:s8] =	dma.local @!p0 [hbm:s6], $0xF7A  }
0x23: {  	s9 =	sor.u32 $0xD0000000, s2;
	s6 =	simm.s32 $0x108;
	_ =	swait.ge @!p0 [sflag:s8], $0x0  }
0x24: {  	s3 =	sadd.s32 $0x88, s3;
	s6 =	simm.s32 @!p1 $0x1082;
	[sflag:s4] =	ssyncset.s32 $0xFFFFF086  }
0x25: {  	[simem:s6], [sflag:s4] =	dma.local [hbm:s3], $0xF7A  }
0x26: {  	[smem:$0x3F9B] =	sst s1;
	(tag) =	ssettag s2;
	_ =	strace s9  }
0x27: {  	s1 =	sld [smem:$0x3FAB]  }
0x28: {  	s2 =	sld [smem:$0x3FAC]  }
0x29: {  	s4 =	sld [smem:$0x3FAE]  }
0x2a: {  	p0 =	seq.s32 s5, $0x0;
	s5 =	sld [smem:$0x3FAF]  }
0x2b: {  	s6 =	sld [smem:$0x3FB0]  }
0x2c: {  	s7 =	sld [smem:$0x3FB1]  }
0x2d: {  	s3 =	simm.s32 $0x108;
	s8 =	sld [smem:$0x3FB2]  }
0x2e: {  	s3 =	simm.s32 @!p0 $0x1082;
	s9 =	sld [smem:$0x3FB3]  }
0x2f: {  	lr =	sadd.s32 s0, s3;
	s0 =	sld [smem:$0x3FAA]  }
0x30: {  	s3 =	sld [smem:$0x3FAD]  }
0x31: {  	[smem:$0x3FB6] =	sst s10  }
0x32: {  	s10 =	sld [smem:$0x3FB4];
	_ =	sdelay $0x3  }
0x33: {  	p0 =	seq.s32 s10, $0x1;
	s10 =	sld [smem:$0x3FB6];
	_ =	sdelay $0x3  }
0x34: {  	[smem:$0x3FB6] =	sst s10  }
0x35: {  	s10 =	sld [smem:$0x3FB5];
	_ =	sdelay $0x3  }
0x36: {  	p1 =	seq.s32 s10, $0x1;
	s10 =	sld [smem:$0x3FB6];
	_ =	sdelay $0x3  }
0x37: {  	[smem:$0x3FB6] =	sst s10  }
0x38: {  	s10 =	sld [smem:$0x3FB7]  }
0x39: {  	_ = 	snop;
	(pc) =	sbr.ind lr, $3  }
0x3a: {  	_ = 	snop  }
0x3b: {  	_ = 	snop  }
0x3c: {  	p2 =	seq.s32 s10, $0x1;
	s10 =	sld [smem:$0x3FB6]  }
0x3d: {  	_ =	shalt  }
0x3e: {  	_ =	shalt  }
0x3f: {  	_ =	shalt  }
0x40: {  	_ =	shalt  }
0x41: {  	_ =	shalt  }
0x42: {  	_ =	shalt  }
0x43: {  	_ =	shalt  }
0x44: {  	_ =	shalt  }
0x45: {  	_ =	shalt  }
0x46: {  	_ =	shalt  }
0x47: {  	_ =	shalt  }
0x48: {  	_ =	shalt  }
0x49: {  	_ =	shalt  }
0x4a: {  	_ =	shalt  }
0x4b: {  	_ =	shalt  }
0x4c: {  	_ =	shalt  }
0x4d: {  	_ =	shalt  }
0x4e: {  	_ =	shalt  }
0x4f: {  	_ =	shalt  }
0x50: {  	_ =	shalt  }
0x51: {  	_ =	shalt  }
0x52: {  	_ =	shalt  }
0x53: {  	_ =	shalt  }
0x54: {  	_ =	shalt  }
0x55: {  	_ =	shalt  }
0x56: {  	_ =	shalt  }
0x57: {  	_ =	shalt  }
0x58: {  	_ =	shalt  }
0x59: {  	_ =	shalt  }
0x5a: {  	_ =	shalt  }
0x5b: {  	_ =	shalt  }
0x5c: {  	_ =	shalt  }
0x5d: {  	_ =	shalt  }
0x5e: {  	_ =	shalt  }
0x5f: {  	_ =	shalt  }
0x60: {  	_ =	shalt  }
0x61: {  	_ =	shalt  }
0x62: {  	_ =	shalt  }
0x63: {  	_ =	shalt  }
0x64: {  	_ =	shalt  }
0x65: {  	_ =	shalt  }
0x66: {  	_ =	shalt  }
0x67: {  	_ =	shalt  }
0x68: {  	_ =	shalt  }
0x69: {  	_ =	shalt  }
0x6a: {  	_ =	shalt  }
0x6b: {  	_ =	shalt  }
0x6c: {  	_ =	shalt  }
0x6d: {  	_ =	shalt  }
0x6e: {  	_ =	shalt  }
0x6f: {  	_ =	shalt  }
0x70: {  	_ =	shalt  }
0x71: {  	_ =	shalt  }
0x72: {  	_ =	shalt  }
0x73: {  	_ =	shalt  }
0x74: {  	_ =	shalt  }
0x75: {  	_ =	shalt  }
0x76: {  	_ =	shalt  }
0x77: {  	_ =	shalt  }
0x78: {  	_ =	shalt  }
0x79: {  	_ =	shalt  }
0x7a: {  	_ =	shalt  }
0x7b: {  	_ =	shalt  }
0x7c: {  	_ =	shalt  }
0x7d: {  	_ =	shalt  }
0x7e: {  	_ =	shalt  }
0x7f: {  	_ =	shalt  }
0x80: {  	_ =	shalt  }
0x81: {  	_ =	shalt  }
0x82: {  	_ =	shalt  }
0x83: {  	_ =	shalt  }
0x84: {  	_ =	shalt  }
0x85: {  	_ =	shalt  }
0x86: {  	_ =	shalt  }
0x87: {  	_ =	shalt  }
.Lfunc_end0:
.L_simem_size_0:
called_computation_lowered:
.L_overlay_start_0:
0x88: {  	s2 =	sld [smem:$0x3FD9]  }
0x89: {  	s3 =	sld [smem:$0x3FFE];
	_ =	sdelay $0x1  }
0x8a: {  	s1 =	srdreg.scid  }
0x8b: {  	s0 =	sand.u32 $0x1, s1  }
0x8c: {  	s16 =	sshll.u32 s0, $0xA;
	s2 =	sadd.s32 s3, s2  }
0x8d: {  	s2 =	sadd.s32 s2, s16  }
0x8e: {  	[smem:$0x3FC2] =	sst s2  }
0x8f: {  	_ = 	snop  }
0x90: {  	(tm) =	ssettm $0x1  }
0x91: {  	s17 =	sld [smem:$0x3FFB];
	_ =	sdelay $0x3  }
0x92: {  	_ =	strace s17  }
0x93: {  	s2 =	sld [smem:$0x3FFC];
	_ =	sdelay $0x3  }
0x94: {  	_ =	strace s2  }
0x95: {  	s2 =	sld [smem:$0x3FFD];
	_ =	sdelay $0x3  }
0x96: {  	_ =	strace s2  }
0x97: {  	_ =	strace $0x8FFFFFFF  }
0x98: {  	s18 =	sld [smem:$0x3FDB];
	_ =	sdelay $0x1  }
0x99: {  	s19 =	simm.s32 $_scs_section_size  }
0x9a: {  	s4 =	simm.s32 $_size__tile_overlayer_lowered;
	s5 =	simm.s32 $_tile_overlayer_lowered  }
0x9b: {  	s22 =	simm.s32 $0x1BFF;
	s21 =	sshll.u32 s5, $0x1;
	s2 =	sadd.s32 s19, s18  }
0x9c: {  	s6 =	simm.s32 $0x0;
	s20 =	sshll.u32 s4, $0x1;
	s4 =	sadd.s32 s21, s2  }
0x9d: {  	[timem:s6], [sflag:s22] =	dma.local [hbm:s4], s20  }
0x9e: {  	_ =	swait.ge [sflag:s22], s20  }
0x9f: {  	s3 =	ssub.s32 $0x0, s20;
	[sflag:s22] =	ssyncset.done $0x0  }
0xa0: {  	[sflag:s22] =	ssyncadd.s32 s3;
	_ =	sdelay $0x1  }
0xa1: {  	s23 =	simm.s32 $0x1B8B  }
0xa2: {  	_ =	swait.ge [sflag:s23], $0x1  }
0xa3: {  	[sflag:s23] =	ssyncset.done $0x0  }
0xa4: {  	s25 =	simm.s32 $0x1B8E;
	s24 =	sld [smem:$0x3FFE];
	[sflag:s23] =	ssyncadd.s32 $0xFFFFFFFF  }
0xa5: {  	s26 =	simm.s32 $execute0_lowered;
	[smem:$0x3FD2] =	sst s25  }
0xa6: {  	s4 =	sshll.u32 s26, $0x1;
	_ =	strace $0x80000046;
	[dreg:$0x1] =	wrdreg $0xFFFFFFFF  }
0xa7: {  	s28 =	simm.s32 $_size_execute0_lowered;
	s2 =	sadd.s32 s2, s4;
	[dreg:$0x0] =	wrdreg $0x0  }
0xa8: {  	s4 =	sshll.u32 s28, $0x1;
	[dreg:$0x2] =	wrdreg s2  }
0xa9: {  	[dreg:$0x3] =	wrdreg s4  }
0xaa: {  	[dreg:$0x4] =	wrdreg $0xC0  }
0xab: {  	_ =	task [dreg:s6], $0x5FFFF  }
0xac: {  	[dreg:$0x1] =	wrdreg $0xFFFFFFFF  }
0xad: {  	[dreg:$0x0] =	wrdreg $0x60  }
0xae: {  	[dreg:$0x2] =	wrdreg s24  }
0xaf: {  	[dreg:$0x3] =	wrdreg $0x68000  }
0xb0: {  	[dreg:$0x4] =	wrdreg $0x9  }
0xb1: {  	_ =	task.clear_ibuf [dreg:s6], $0x5FFFF;
	_ =	strace $0x90000046  }
0xb2: {  	s29 =	simm.s32 $0x9;
	_ =	strace $0x80000048  }
0xb3: {  	_ =	swait.ge [sflag:s29], $0x1  }
0xb4: {  	[sflag:s29] =	ssyncadd.s32 $0xFFFFFFFF  }
0xb5: {  	_ =	strace $0x90000048  }
0xb6: {  	_ =	sfence  }
0xb7: {  	s30 =	sld [smem:$0x0];
	_ =	sdelay $0x2  }
0xb8: {  	s31 =	sshll.u32 s1, $0xD;
	s1 =	sshrl.u32 s1, $0x2  }
0xb9: {  	s3 =	sand.u32 $0x4000, s31;
	s1 =	sadd.s32 s1, s30  }
0xba: {  	s0 =	sor.u32 s3, s0;
	s1 =	sshll.u32 s1, $0x11  }
0xbb: {  	s0 =	sor.u32 s1, s0  }
0xbc: {  	s0 =	sadd.s32 $0x8F2B, s0  }
0xbd: {  	[sflag:s0] =	ssyncadd.remote.s32 $0x1  }
0xbe: {  	_ =	sfence.sel $0xFFFF  }
0xbf: {  	[dreg:$0x0] =	wrdreg $0xFFFFFFFF;
	(pc) =	sbr.abs _section_cstart, $3  }
0xc0: {  	[dreg:$0x1] =	wrdreg $0xFFFFFFFF  }
0xc1: {  	_ =	task.clear_ibuf [dreg:s6], $0x2FFFF;
	_ =	strace $0x9FFFFFFF  }
0xc2: {  	(tm) =	ssettm $0x7FFFFFFF  }
0xc3: {  	_ =	shalt  }
tec
execute0_lowered:
.L_overlay_start_1:
0x0: {  	(tag) =	ssettag $0x1  }
0x1: {  	s5 =	rddreg [dreg:$0x0]  }
0x2: {  	s0 =	srdreg.scid;
	s2 =	rddreg [dreg:$0x1]  }
0x3: {  	s3 =	simm.s32 $0x0;
	s12 =	simm.s32 $0x3;
	s13 =	simm.s32 $0x2800  }
0x4: {  	s14 =	simm.s32 $0x80;
	s15 =	simm.s32 $0x1;
	s4 =	sand.u32 $0x1, s0  }
0x5: {  	s16 =	simm.s32 $0x2;
	s0 =	stileid.u32;
	s7 =	smul.u32 $0x28000, s4  }
0x6: {  	s19 =	simm.s32 $0x0;
	[smem:$0x7FF] =	sst s3;
	s8 =	smul.u32 $0x2800, s0  }
0x7: {  	s1 =	sshll.u32 s4, $0x4;
	s9 =	smul.u32 $0x50000, s0;
	s4 =	ssub.s32 $0x2, s4  }
0x8: {  	s17 =	sshll.u32 s0, $0x6;
	s1 =	sor.u32 s0, s1;
	s29 =	sshrl.u32 s4, $0x1  }
0x9: {  	s17 =	sor.u32 $0x1C03, s17;
	s6 =	smul.u32 $0x500, s1;
	s1 =	rddreg [dreg:$0x2]  }
0xa: {  	_ =	strace $0x80000047;
	s7 =	sadd.s32 s8, s7;
	s30 =	sshrl.u32 s9, $0x2  }
0xb: {  	s31 =	ssub.s32 s4, s29;
	s7 =	sadd.s32 s7, s5;
	s6 =	sadd.s32 s6, s5  }
0xc: {  	s5 =	sadd.s32 s30, s2;
	s4 =	sadd.s32 $0x2C00, s6;
	s6 =	sadd.s32 $0xCC00, s7  }
0xd: {  	s7 =	smax.u32 s31, $0x1;
	s8 =	sadd.s32 $0x4000, s5;
	s9 =	sadd.s32 $0x8000, s5  }
0xe: {  	v0 =	vimm.f32 $0.0e+00;
	v1 =	vimm.f32 $1.000000000e+00;
	s10 =	sadd.s32 $0xC000, s5;
	s11 =	sadd.s32 $0x10000, s5;
	s18 =	sshrl.u32 s5, $0x3  }
.LBB2_1:
0xf: {  	[tilespmem:s3], [sflag:$0x3] =	stream.linear.gather [hbm4b:s4+s3], $0x2800, $0x38;
	[tilespmem:$0x1A800] =	vst v63  }
0x10: {  	_ =	swait.ge [sflag:s12], $0x2800  }
0x11: {  	[sflag:s12] =	ssyncset.done $0x0  }
0x12: {  	s20 =	simm.s32 $0x0;
	s21 =	simm.s32 $0x200;
	[sflag:s12] =	ssyncadd.s32 $0xFFFFD800  }
.LBB2_2:
0x13: {  	p0 =	sne.s32 s21, $0xFE00;
	[tilespmem:s20+$0x2870] =	vst v0  }
0x14: {  	[tilespmem:s20+$0x2800] =	vst v0  }
0x15: {  	[tilespmem:s20+$0x2810] =	vst v0  }
.Ltmp0:
0x16: {  	[tilespmem:s20+$0x2820] =	vst v0;
	(pc) =	sbr.rel @p0 .LBB2_2-.Ltmp0, $4  }
0x17: {  	[tilespmem:s20+$0x2830] =	vst v0  }
0x18: {  	[tilespmem:s20+$0x2840] =	vst v0  }
0x19: {  	[tilespmem:s20+$0x2850] =	vst v0  }
0x1a: {  	[tilespmem:s20+$0x2860] =	vst v0;
	s20 =	sshra.s32 s21, $0x2;
	s21 =	sadd.s32 $0x200, s21  }
0x1b: {  	[tilespmem:s20+$0x2870] =	vst v0  }
0x1c: {  	[tilespmem:s20+$0x2800] =	vst v0  }
0x1d: {  	[tilespmem:s20+$0x2810] =	vst v0  }
0x1e: {  	[tilespmem:s20+$0x2820] =	vst v0  }
0x1f: {  	[tilespmem:s20+$0x2830] =	vst v0  }
0x20: {  	[tilespmem:s20+$0x2840] =	vst v0  }
0x21: {  	[tilespmem:s20+$0x2850] =	vst v0  }
0x22: {  	[tilespmem:s20+$0x2860] =	vst v0  }
0x23: {  	[spmem:s5] =	stream.linear.scatter [tilespmem:s13], [sflag:$0x3], $0x4000, $0x38;
	[tilespmem:$0x1A800] =	vst v63  }
0x24: {  	_ =	swait.ge [sflag:s12], $0x4000  }
0x25: {  	[sflag:s12] =	ssyncset.done $0x0  }
0x26: {  	[sflag:s12] =	ssyncadd.s32 $0xFFFFC000  }
0x27: {  	[spmem:s8] =	stream.linear.scatter [tilespmem:s13], [sflag:$0x3], $0x4000, $0x38;
	[tilespmem:$0x1A800] =	vst v63  }
0x28: {  	_ =	swait.ge [sflag:s12], $0x4000  }
0x29: {  	[sflag:s12] =	ssyncset.done $0x0  }
0x2a: {  	[sflag:s12] =	ssyncadd.s32 $0xFFFFC000  }
0x2b: {  	[spmem:s9] =	stream.linear.scatter [tilespmem:s13], [sflag:$0x3], $0x4000, $0x38;
	[tilespmem:$0x1A800] =	vst v63  }
0x2c: {  	_ =	swait.ge [sflag:s12], $0x4000  }
0x2d: {  	[sflag:s12] =	ssyncset.done $0x0  }
0x2e: {  	[sflag:s12] =	ssyncadd.s32 $0xFFFFC000  }
0x2f: {  	[spmem:s10] =	stream.linear.scatter [tilespmem:s13], [sflag:$0x3], $0x4000, $0x38;
	[tilespmem:$0x1A800] =	vst v63  }
0x30: {  	_ =	swait.ge [sflag:s12], $0x4000  }
0x31: {  	[sflag:s12] =	ssyncset.done $0x0  }
0x32: {  	[sflag:s12] =	ssyncadd.s32 $0xFFFFC000  }
0x33: {  	[spmem:s11] =	stream.linear.scatter [tilespmem:s13], [sflag:$0x3], $0x4000, $0x38;
	[tilespmem:$0x1A800] =	vst v63  }
0x34: {  	_ =	swait.ge [sflag:s12], $0x4000  }
0x35: {  	[sflag:s12] =	ssyncset.done $0x0  }
0x36: {  	s20 =	simm.s32 $0x0;
	s21 =	simm.s32 $0x200;
	[sflag:s12] =	ssyncadd.s32 $0xFFFFC000  }
.LBB2_4:
0x37: {  	p0 =	sne.s32 s21, $0xFE00;
	[tilespmem:s20+$0x2870] =	vst v1  }
0x38: {  	[tilespmem:s20+$0x2800] =	vst v1  }
0x39: {  	[tilespmem:s20+$0x2810] =	vst v1  }
.Ltmp1:
0x3a: {  	[tilespmem:s20+$0x2820] =	vst v1;
	(pc) =	sbr.rel @p0 .LBB2_4-.Ltmp1, $4  }
0x3b: {  	[tilespmem:s20+$0x2830] =	vst v1  }
0x3c: {  	[tilespmem:s20+$0x2840] =	vst v1  }
0x3d: {  	[tilespmem:s20+$0x2850] =	vst v1  }
0x3e: {  	[tilespmem:s20+$0x2860] =	vst v1;
	s20 =	sshra.s32 s21, $0x2;
	s21 =	sadd.s32 $0x200, s21  }
0x3f: {  	[tilespmem:s20+$0x2870] =	vst v1  }
0x40: {  	[tilespmem:s20+$0x2800] =	vst v1  }
0x41: {  	[tilespmem:s20+$0x2810] =	vst v1  }
0x42: {  	[tilespmem:s20+$0x2820] =	vst v1  }
0x43: {  	[tilespmem:s20+$0x2830] =	vst v1  }
0x44: {  	[tilespmem:s20+$0x2840] =	vst v1  }
0x45: {  	[tilespmem:s20+$0x2850] =	vst v1  }
0x46: {  	[tilespmem:s20+$0x2860] =	vst v1  }
0x47: {  	s30 =	simm.s32 $0x0;
	[bflag:$0x0] =	sbarrier.arrive $0xFFFF  }
0x48: {  	[spmem:s2] =	stream.indirect.scatter.add.f32 [tilespmem:s13], [sflag:$0x1], $0x80, s30, s14, $0xb8;
	[tilespmem:$0x1A800] =	vst v63  }
0x49: {  	s31 =	simm.s32 $0x80  }
0x4a: {  	[spmem:s2] =	stream.indirect.scatter.add.f32 [tilespmem:s13], [sflag:$0x2], $0x80, s31, s14, $0xb8;
	[tilespmem:$0x1A800] =	vst v63  }
0x4b: {  	_ =	swait.ge [sflag:s15], $0x4000  }
0x4c: {  	[sflag:s15] =	ssyncset.done $0x0  }
0x4d: {  	[sflag:s15] =	ssyncadd.s32 $0xFFFFC000  }
0x4e: {  	_ =	swait.ge [sflag:s16], $0x4000  }
0x4f: {  	s20 =	simm.s32 $0x400;
	s21 =	simm.s32 $0x800;
	[sflag:s16] =	ssyncset.done $0x0  }
.LBB2_6:
0x50: {  	s22 =	sshra.s32 s20, $0x2  }
0x51: {  	[sflag:s16] =	ssyncadd.s32 $0xFFFFC000;
	s20 =	smov.u32 s21;
	s23 =	sadd.s32 $0x400, s21  }
0x52: {  	[spmem:s2] =	stream.indirect.scatter.add.f32 [tilespmem:s13], [sflag:$0x1], $0x80, s22, s14, $0xb8;
	[tilespmem:$0x1A800] =	vst v63  }
0x53: {  	p0 =	sne.s32 s21, $0x9C00;
	s21 =	sadd.s32 $0x80, s22  }
0x54: {  	[spmem:s2] =	stream.indirect.scatter.add.f32 [tilespmem:s13], [sflag:$0x2], $0x80, s21, s14, $0xb8;
	[tilespmem:$0x1A800] =	vst v63  }
.Ltmp2:
0x55: {  	_ =	swait.ge [sflag:s15], $0x4000;
	(pc) =	sbr.rel @p0 .LBB2_6-.Ltmp2, $4  }
0x56: {  	[sflag:s15] =	ssyncset.done $0x0  }
0x57: {  	[sflag:s15] =	ssyncadd.s32 $0xFFFFC000  }
0x58: {  	_ =	swait.ge [sflag:s16], $0x4000  }
0x59: {  	s21 =	smov.u32 s23;
	[sflag:s16] =	ssyncset.done $0x0  }
0x5a: {  	s20 =	sshra.s32 s20, $0x2;
	[sflag:s16] =	ssyncadd.s32 $0xFFFFC000  }
0x5b: {  	[spmem:s2] =	stream.indirect.scatter.add.f32 [tilespmem:s13], [sflag:$0x1], $0x80, s20, s14, $0xb8;
	[tilespmem:$0x1A800] =	vst v63  }
0x5c: {  	s20 =	sadd.s32 $0x80, s20  }
0x5d: {  	[spmem:s2] =	stream.indirect.scatter.add.f32 [tilespmem:s13], [sflag:$0x2], $0x80, s20, s14, $0xb8;
	[tilespmem:$0x1A800] =	vst v63  }
0x5e: {  	_ =	swait.ge [sflag:s15], $0x4000  }
0x5f: {  	[sflag:s15] =	ssyncset.done $0x0  }
0x60: {  	[sflag:s15] =	ssyncadd.s32 $0xFFFFC000  }
0x61: {  	_ =	swait.ge [sflag:s16], $0x4000  }
0x62: {  	s19 =	sadd.s32 $0x1, s19;
	[sflag:s16] =	ssyncset.done $0x0  }
0x63: {  	p0 =	sne.s32 s19, s7;
	[sflag:s16] =	ssyncadd.s32 $0xFFFFC000  }
.Ltmp3:
0x64: {  	[bflag:$0x0] =	sbarrier.arrive $0xFFFF;
	(pc) =	sbr.rel @p0 .LBB2_1-.Ltmp3, $4  }
0x65: {  	[hbm:s6], [sflag:s17] =	dma.local [spmem:s18], $0x2800  }
0x66: {  	_ =	swait.ge [sflag:s12], $0x2800  }
0x67: {  	[sflag:s12] =	ssyncset.done $0x0  }
0x68: {  	[sflag:s12] =	ssyncadd.s32 $0xFFFFD800  }
0x69: {  	_ =	sfence.sel $0x180000  }
0x6a: {  	[bflag:$0x0] =	sbarrier.arrive $0xFFFF  }
0x6b: {  	p0 =	sne.s32 s0, $0x0;
	_ =	strace $0x90000047  }
0x6c: {  	s0 =	sadd.s32 @!p0 $0x100000, s1;
	[bflag:$0x2] =	sbarrier.arrive $0xFFFF  }
0x6d: {  	[sflag:s0] =	ssyncadd.tile.s32 @!p0 $0x1;
	_ =	shalt  }
.Lfunc_end2:
_tile_overlayer_lowered:
.L_overlay_start_2:
0x6e: {  	(tag) =	ssettag $0x2  }
0x6f: {  	s0 =	rddreg [dreg:$0x0];
	s2 =	stileid.u32  }
0x70: {  	s1 =	rddreg [dreg:$0x1];
	p0 =	sne.s32 s2, $0x0  }
0x71: {  	s3 =	rddreg [dreg:$0x2];
	[bflag:$0x3] =	sbarrier.arrive $0xFFFF;
	s2 =	simm.s32 @!p0 $0x1C03  }
0x72: {  	[timem:s3], [sflag:s2] =	dma.local @!p0 [hbm:s0], s1  }
0x73: {  	s0 =	simm.s32 @!p0 $0x3  }
0x74: {  	_ =	swait.ge @!p0 [sflag:s0], s1  }
0x75: {  	s1 =	ssub.s32 @!p0 $0x0, s1;
	[sflag:s0] =	ssyncset.done @!p0 $0x0  }
0x76: {  	[sflag:s0] =	ssyncadd.s32 @!p0 s1  }
0x77: {  	[bflag:$0x3] =	sbarrier.arrive $0xFFFF  }
0x78: {  	_ =	shalt  }

</sc_bundles>
